<compile_context>
chip_gen: v7x
topology: tpu7x:2x2x1
jax: 0.10.2.dev20260603
libtpu: 0.0.44.dev20260713+nightly
codegen_flags: <defaults>
</compile_context>

<pallas_src>
import functools

import jax
import jax.numpy as jnp
from jax import lax
from jax.experimental import pallas as pl
from jax.experimental.pallas import tpu as pltpu
from jax.experimental.pallas import tpu_sc as plsc

NC = 2
NS = 16
NW = NC * NS
C = 32
NBUF = 5


def _emb_kernel(B, T, D, P, idx_hbm, wpe_hbm, wte_hbm, out_hbm,
                idx_v, rows_v, wsems, gsems, ssems, isems):
    wid = lax.axis_index("s") * NC + lax.axis_index("c")
    pos_base = wid * P
    n_chunks = P // C
    n_jobs = n_chunks * B

    idx_copies = [
        pltpu.async_copy(idx_hbm.at[pl.ds(b * T + pos_base, P)], idx_v.at[b],
                         isems.at[b])
        for b in range(B)
    ]

    fills = [None] * n_jobs
    gathers = [None] * n_jobs
    stores = [None] * n_jobs

    def start_fill(j):
        pc = j // B
        fills[j] = pltpu.async_copy(
            wpe_hbm.at[pl.ds(pos_base + pc * C, C)], rows_v.at[j % NBUF],
            wsems.at[j % NBUF])

    def start_gather_add(j):
        pc, b = divmod(j, B)
        gathers[j] = pltpu.async_copy(
            wte_hbm.at[idx_v.at[b, pl.ds(pc * C, C)]], rows_v.at[j % NBUF],
            gsems.at[j % NBUF], add=True)

    for j in range(min(NBUF, n_jobs)):
        start_fill(j)
    for b in range(B):
        idx_copies[b].wait()
    for j in range(min(NBUF, n_jobs)):
        fills[j].wait()
        start_gather_add(j)
    for j in range(n_jobs):
        pc, b = divmod(j, B)
        gathers[j].wait()
        row_base = b * T + pos_base + pc * C
        stores[j] = pltpu.async_copy(
            rows_v.at[j % NBUF], out_hbm.at[pl.ds(row_base, C)],
            ssems.at[j % NBUF])
        jn = j + NBUF
        if jn < n_jobs:
            stores[j].wait()
            start_fill(jn)
            fills[jn].wait()
            start_gather_add(jn)
    for j in range(max(0, n_jobs - NBUF), n_jobs):
        stores[j].wait()


def kernel(idx, wte, wpe):
    B, T = idx.shape
    V, D = wte.shape
    P = T // NW

    mesh = plsc.VectorSubcoreMesh(core_axis_name="c", subcore_axis_name="s")
    body = functools.partial(_emb_kernel, B, T, D, P)
    out = pl.kernel(
        body,
        out_type=jax.ShapeDtypeStruct((B * T, D), jnp.float32),
        mesh=mesh,
        scratch_types=[
            pltpu.VMEM((B, P), jnp.int32),
            pltpu.VMEM((NBUF, C, D), jnp.float32),
            pltpu.SemaphoreType.DMA((NBUF,)),
            pltpu.SemaphoreType.DMA((NBUF,)),
            pltpu.SemaphoreType.DMA((NBUF,)),
            pltpu.SemaphoreType.DMA((B,)),
        ],
    )(idx.reshape(B * T), wte, wpe)
    return out.reshape(B, T, D)

# --- scband reference (transcript-rebuilt; emitter-appended) ---
"""Pipeline reference for scband-start-layer-26877905338733 (READ-ONLY COPY).

The authoritative reference and input builder live on the scoring server;
editing this copy changes nothing except your own understanding.
"""

import jax, jax.numpy as jnp
import numpy as np

VOCAB = 50304
BLOCK = 2048
N_EMBD = 768
B = 4
T = 2048

def setup_inputs(seed: int = 0) -> dict:
    key = jax.random.key(seed)
    k1, k2, k3 = jax.random.split(key, 3)
    idx = jax.random.randint(k1, (B, T), 0, VOCAB, dtype=jnp.int64 if jax.config.jax_enable_x64 else jnp.int32).astype(jnp.int32)
    wte = jax.random.normal(k2, (VOCAB, N_EMBD), dtype=jnp.float32) * 0.02
    wpe = jax.random.normal(k3, (BLOCK, N_EMBD), dtype=jnp.float32) * 0.02
    return {"idx": idx, "wte": wte, "wpe": wpe}

def reference(idx, wte, wpe):
    b, t = idx.shape
    pos = jnp.arange(0, t, dtype=jnp.int32)
    pos = jnp.broadcast_to(pos[None, :], (b, t))
    tok_emb = jnp.take(wte, idx, axis=0)
    pos_emb = jnp.take(wpe, pos, axis=0)
    # dropout p=0.0 (eval / identity)
    x = tok_emb + pos_emb
    return x

if __name__ == "__main__":
    import jax
    _d = setup_inputs()
    print(jax.jit(kernel)(*tuple(_d.values())))

</pallas_src>

<mosaic_0001>
#map = affine_map<(d0, d1) -> (0)>
#map1 = affine_map<(d0, d1) -> (0, 0)>
module attributes {stable_mosaic.version = 14 : i64} {
  func.func @_emb_kernel(%arg0: i32, %arg1: i32, %arg2: memref<8192xi32, #tpu.memory_space<hbm>>, %arg3: memref<50304x768xf32, #tpu.memory_space<hbm>>, %arg4: memref<2048x768xf32, #tpu.memory_space<hbm>>, %arg5: memref<8192x768xf32, #tpu.memory_space<hbm>>, %arg6: memref<4x64xi32, #tpu.memory_space<vmem>>, %arg7: memref<5x32x768xf32, #tpu.memory_space<vmem>>, %arg8: memref<5x!tpu.dma_semaphore, #tpu.memory_space<semaphore_mem>>, %arg9: memref<5x!tpu.dma_semaphore, #tpu.memory_space<semaphore_mem>>, %arg10: memref<5x!tpu.dma_semaphore, #tpu.memory_space<semaphore_mem>>, %arg11: memref<4x!tpu.dma_semaphore, #tpu.memory_space<semaphore_mem>>) attributes {dimension_semantics = [#tpu.dimension_semantics<core_parallel>, #tpu.dimension_semantics<subcore_parallel>], iteration_bounds = array<i64: 2, 16>, scalar_prefetch = 0 : i64, scratch_operands = 6 : i64, tpu.core_type = #tpu.core_type<sc_vector_subcore>, window_params = [{transform_indices = #map}, {transform_indices = #map1}, {transform_indices = #map1}, {transform_indices = #map1}]} {
    %mul3A = arith.constant 2 : i32
    %mul3A_0 = arith.muli %arg1, %mul3A : i32
    %add3A = arith.addi %mul3A_0, %arg0 : i32
    %mul3A_1 = arith.constant 64 : i32
    %mul3A_2 = arith.muli %add3A, %mul3A_1 : i32
    %add3A_3 = arith.constant 0 : i32
    %add3A_4 = arith.addi %add3A_3, %mul3A_2 : i32
    %dma_start3A = arith.constant 0 : i32
    %dma_start3A_5 = arith.constant 0 : i32
    %dma_start3A_6 = arith.constant 0 : i32
    %dma_start3A_7 = tpu.memref_slice %arg6[%dma_start3A, %dma_start3A_6] : memref<4x64xi32, #tpu.memory_space<vmem>> -> memref<1x64xi32, #tpu.memory_space<vmem>>
    %dma_start3A_8 = tpu.memref_squeeze %dma_start3A_7 : memref<1x64xi32, #tpu.memory_space<vmem>> -> memref<64xi32, #tpu.memory_space<vmem>>
    %dma_start3A_9 = tpu.memref_slice %arg2[%add3A_4] : memref<8192xi32, #tpu.memory_space<hbm>> -> memref<64xi32, #tpu.memory_space<hbm>>
    %dma_start3A_10 = tpu.memref_slice %arg11[%dma_start3A_5] : memref<4x!tpu.dma_semaphore, #tpu.memory_space<semaphore_mem>> -> memref<1x!tpu.dma_semaphore, #tpu.memory_space<semaphore_mem>>
    %dma_start3A_11 = tpu.memref_squeeze %dma_start3A_10 : memref<1x!tpu.dma_semaphore, #tpu.memory_space<semaphore_mem>> -> memref<!tpu.dma_semaphore, #tpu.memory_space<semaphore_mem>>
    %dma_start3A_12 = arith.constant 0 : i32
    %dma_start3A_13 = tpu.memref_slice %arg6[%dma_start3A, %dma_start3A_12] : memref<4x64xi32, #tpu.memory_space<vmem>> -> memref<1x64xi32, #tpu.memory_space<vmem>>
    %dma_start3A_14 = tpu.memref_squeeze %dma_start3A_13 : memref<1x64xi32, #tpu.memory_space<vmem>> -> memref<64xi32, #tpu.memory_space<vmem>>
    %dma_start3A_15 = tpu.memref_slice %arg2[%add3A_4] : memref<8192xi32, #tpu.memory_space<hbm>> -> memref<64xi32, #tpu.memory_space<hbm>>
    tpu.enqueue_dma source(%dma_start3A_15 : memref<64xi32, #tpu.memory_space<hbm>>) target(%dma_start3A_14 : memref<64xi32, #tpu.memory_space<vmem>>) target_semaphore(%dma_start3A_11 : memref<!tpu.dma_semaphore, #tpu.memory_space<semaphore_mem>>)
    %add3A_16 = arith.constant 2048 : i32
    %add3A_17 = arith.addi %add3A_16, %mul3A_2 : i32
    %dma_start3A_18 = arith.constant 1 : i32
    %dma_start3A_19 = arith.constant 1 : i32
    %dma_start3A_20 = arith.constant 0 : i32
    %dma_start3A_21 = tpu.memref_slice %arg6[%dma_start3A_18, %dma_start3A_20] : memref<4x64xi32, #tpu.memory_space<vmem>> -> memref<1x64xi32, #tpu.memory_space<vmem>>
    %dma_start3A_22 = tpu.memref_squeeze %dma_start3A_21 : memref<1x64xi32, #tpu.memory_space<vmem>> -> memref<64xi32, #tpu.memory_space<vmem>>
    %dma_start3A_23 = tpu.memref_slice %arg2[%add3A_17] : memref<8192xi32, #tpu.memory_space<hbm>> -> memref<64xi32, #tpu.memory_space<hbm>>
    %dma_start3A_24 = tpu.memref_slice %arg11[%dma_start3A_19] : memref<4x!tpu.dma_semaphore, #tpu.memory_space<semaphore_mem>> -> memref<1x!tpu.dma_semaphore, #tpu.memory_space<semaphore_mem>>
    %dma_start3A_25 = tpu.memref_squeeze %dma_start3A_24 : memref<1x!tpu.dma_semaphore, #tpu.memory_space<semaphore_mem>> -> memref<!tpu.dma_semaphore, #tpu.memory_space<semaphore_mem>>
    %dma_start3A_26 = arith.constant 0 : i32
    %dma_start3A_27 = tpu.memref_slice %arg6[%dma_start3A_18, %dma_start3A_26] : memref<4x64xi32, #tpu.memory_space<vmem>> -> memref<1x64xi32, #tpu.memory_space<vmem>>
    %dma_start3A_28 = tpu.memref_squeeze %dma_start3A_27 : memref<1x64xi32, #tpu.memory_space<vmem>> -> memref<64xi32, #tpu.memory_space<vmem>>
    %dma_start3A_29 = tpu.memref_slice %arg2[%add3A_17] : memref<8192xi32, #tpu.memory_space<hbm>> -> memref<64xi32, #tpu.memory_space<hbm>>
    tpu.enqueue_dma source(%dma_start3A_29 : memref<64xi32, #tpu.memory_space<hbm>>) target(%dma_start3A_28 : memref<64xi32, #tpu.memory_space<vmem>>) target_semaphore(%dma_start3A_25 : memref<!tpu.dma_semaphore, #tpu.memory_space<semaphore_mem>>)
    %add3A_30 = arith.constant 4096 : i32
    %add3A_31 = arith.addi %add3A_30, %mul3A_2 : i32
    %dma_start3A_32 = arith.constant 2 : i32
    %dma_start3A_33 = arith.constant 2 : i32
    %dma_start3A_34 = arith.constant 0 : i32
    %dma_start3A_35 = tpu.memref_slice %arg6[%dma_start3A_32, %dma_start3A_34] : memref<4x64xi32, #tpu.memory_space<vmem>> -> memref<1x64xi32, #tpu.memory_space<vmem>>
    %dma_start3A_36 = tpu.memref_squeeze %dma_start3A_35 : memref<1x64xi32, #tpu.memory_space<vmem>> -> memref<64xi32, #tpu.memory_space<vmem>>
    %dma_start3A_37 = tpu.memref_slice %arg2[%add3A_31] : memref<8192xi32, #tpu.memory_space<hbm>> -> memref<64xi32, #tpu.memory_space<hbm>>
    %dma_start3A_38 = tpu.memref_slice %arg11[%dma_start3A_33] : memref<4x!tpu.dma_semaphore, #tpu.memory_space<semaphore_mem>> -> memref<1x!tpu.dma_semaphore, #tpu.memory_space<semaphore_mem>>
    %dma_start3A_39 = tpu.memref_squeeze %dma_start3A_38 : memref<1x!tpu.dma_semaphore, #tpu.memory_space<semaphore_mem>> -> memref<!tpu.dma_semaphore, #tpu.memory_space<semaphore_mem>>
    %dma_start3A_40 = arith.constant 0 : i32
    %dma_start3A_41 = tpu.memref_slice %arg6[%dma_start3A_32, %dma_start3A_40] : memref<4x64xi32, #tpu.memory_space<vmem>> -> memref<1x64xi32, #tpu.memory_space<vmem>>
    %dma_start3A_42 = tpu.memref_squeeze %dma_start3A_41 : memref<1x64xi32, #tpu.memory_space<vmem>> -> memref<64xi32, #tpu.memory_space<vmem>>
    %dma_start3A_43 = tpu.memref_slice %arg2[%add3A_31] : memref<8192xi32, #tpu.memory_space<hbm>> -> memref<64xi32, #tpu.memory_space<hbm>>
    tpu.enqueue_dma source(%dma_start3A_43 : memref<64xi32, #tpu.memory_space<hbm>>) target(%dma_start3A_42 : memref<64xi32, #tpu.memory_space<vmem>>) target_semaphore(%dma_start3A_39 : memref<!tpu.dma_semaphore, #tpu.memory_space<semaphore_mem>>)
    %add3A_44 = arith.constant 6144 : i32
    %add3A_45 = arith.addi %add3A_44, %mul3A_2 : i32
    %dma_start3A_46 = arith.constant 3 : i32
    %dma_start3A_47 = arith.constant 3 : i32
    %dma_start3A_48 = arith.constant 0 : i32
    %dma_start3A_49 = tpu.memref_slice %arg6[%dma_start3A_46, %dma_start3A_48] : memref<4x64xi32, #tpu.memory_space<vmem>> -> memref<1x64xi32, #tpu.memory_space<vmem>>
    %dma_start3A_50 = tpu.memref_squeeze %dma_start3A_49 : memref<1x64xi32, #tpu.memory_space<vmem>> -> memref<64xi32, #tpu.memory_space<vmem>>
    %dma_start3A_51 = tpu.memref_slice %arg2[%add3A_45] : memref<8192xi32, #tpu.memory_space<hbm>> -> memref<64xi32, #tpu.memory_space<hbm>>
    %dma_start3A_52 = tpu.memref_slice %arg11[%dma_start3A_47] : memref<4x!tpu.dma_semaphore, #tpu.memory_space<semaphore_mem>> -> memref<1x!tpu.dma_semaphore, #tpu.memory_space<semaphore_mem>>
    %dma_start3A_53 = tpu.memref_squeeze %dma_start3A_52 : memref<1x!tpu.dma_semaphore, #tpu.memory_space<semaphore_mem>> -> memref<!tpu.dma_semaphore, #tpu.memory_space<semaphore_mem>>
    %dma_start3A_54 = arith.constant 0 : i32
    %dma_start3A_55 = tpu.memref_slice %arg6[%dma_start3A_46, %dma_start3A_54] : memref<4x64xi32, #tpu.memory_space<vmem>> -> memref<1x64xi32, #tpu.memory_space<vmem>>
    %dma_start3A_56 = tpu.memref_squeeze %dma_start3A_55 : memref<1x64xi32, #tpu.memory_space<vmem>> -> memref<64xi32, #tpu.memory_space<vmem>>
    %dma_start3A_57 = tpu.memref_slice %arg2[%add3A_45] : memref<8192xi32, #tpu.memory_space<hbm>> -> memref<64xi32, #tpu.memory_space<hbm>>
    tpu.enqueue_dma source(%dma_start3A_57 : memref<64xi32, #tpu.memory_space<hbm>>) target(%dma_start3A_56 : memref<64xi32, #tpu.memory_space<vmem>>) target_semaphore(%dma_start3A_53 : memref<!tpu.dma_semaphore, #tpu.memory_space<semaphore_mem>>)
    %add3A_58 = arith.constant 0 : i32
    %add3A_59 = arith.addi %mul3A_2, %add3A_58 : i32
    %dma_start3A_60 = arith.constant 0 : i32
    %dma_start3A_61 = arith.constant 0 : i32
    %dma_start3A_62 = arith.constant 0 : i32
    %dma_start3A_63 = arith.constant 0 : i32
    %dma_start3A_64 = tpu.memref_slice %arg7[%dma_start3A_60, %dma_start3A_62, %dma_start3A_63] : memref<5x32x768xf32, #tpu.memory_space<vmem>> -> memref<1x32x768xf32, #tpu.memory_space<vmem>>
    %dma_start3A_65 = tpu.memref_squeeze %dma_start3A_64 : memref<1x32x768xf32, #tpu.memory_space<vmem>> -> memref<32x768xf32, #tpu.memory_space<vmem>>
    %dma_start3A_66 = arith.constant 0 : i32
    %dma_start3A_67 = tpu.memref_slice %arg3[%add3A_59, %dma_start3A_66] : memref<50304x768xf32, #tpu.memory_space<hbm>> -> memref<32x768xf32, #tpu.memory_space<hbm>>
    %dma_start3A_68 = tpu.memref_slice %arg8[%dma_start3A_61] : memref<5x!tpu.dma_semaphore, #tpu.memory_space<semaphore_mem>> -> memref<1x!tpu.dma_semaphore, #tpu.memory_space<semaphore_mem>>
    %dma_start3A_69 = tpu.memref_squeeze %dma_start3A_68 : memref<1x!tpu.dma_semaphore, #tpu.memory_space<semaphore_mem>> -> memref<!tpu.dma_semaphore, #tpu.memory_space<semaphore_mem>>
    %dma_start3A_70 = arith.constant 0 : i32
    %dma_start3A_71 = arith.constant 0 : i32
    %dma_start3A_72 = tpu.memref_slice %arg7[%dma_start3A_60, %dma_start3A_70, %dma_start3A_71] : memref<5x32x768xf32, #tpu.memory_space<vmem>> -> memref<1x32x768xf32, #tpu.memory_space<vmem>>
    %dma_start3A_73 = tpu.memref_squeeze %dma_start3A_72 : memref<1x32x768xf32, #tpu.memory_space<vmem>> -> memref<32x768xf32, #tpu.memory_space<vmem>>
    %dma_start3A_74 = arith.constant 0 : i32
    %dma_start3A_75 = tpu.memref_slice %arg3[%add3A_59, %dma_start3A_74] : memref<50304x768xf32, #tpu.memory_space<hbm>> -> memref<32x768xf32, #tpu.memory_space<hbm>>
    tpu.enqueue_dma source(%dma_start3A_75 : memref<32x768xf32, #tpu.memory_space<hbm>>) target(%dma_start3A_73 : memref<32x768xf32, #tpu.memory_space<vmem>>) target_semaphore(%dma_start3A_69 : memref<!tpu.dma_semaphore, #tpu.memory_space<semaphore_mem>>)
    %add3A_76 = arith.constant 0 : i32
    %add3A_77 = arith.addi %mul3A_2, %add3A_76 : i32
    %dma_start3A_78 = arith.constant 1 : i32
    %dma_start3A_79 = arith.constant 1 : i32
    %dma_start3A_80 = arith.constant 0 : i32
    %dma_start3A_81 = arith.constant 0 : i32
    %dma_start3A_82 = tpu.memref_slice %arg7[%dma_start3A_78, %dma_start3A_80, %dma_start3A_81] : memref<5x32x768xf32, #tpu.memory_space<vmem>> -> memref<1x32x768xf32, #tpu.memory_space<vmem>>
    %dma_start3A_83 = tpu.memref_squeeze %dma_start3A_82 : memref<1x32x768xf32, #tpu.memory_space<vmem>> -> memref<32x768xf32, #tpu.memory_space<vmem>>
    %dma_start3A_84 = arith.constant 0 : i32
    %dma_start3A_85 = tpu.memref_slice %arg3[%add3A_77, %dma_start3A_84] : memref<50304x768xf32, #tpu.memory_space<hbm>> -> memref<32x768xf32, #tpu.memory_space<hbm>>
    %dma_start3A_86 = tpu.memref_slice %arg8[%dma_start3A_79] : memref<5x!tpu.dma_semaphore, #tpu.memory_space<semaphore_mem>> -> memref<1x!tpu.dma_semaphore, #tpu.memory_space<semaphore_mem>>
    %dma_start3A_87 = tpu.memref_squeeze %dma_start3A_86 : memref<1x!tpu.dma_semaphore, #tpu.memory_space<semaphore_mem>> -> memref<!tpu.dma_semaphore, #tpu.memory_space<semaphore_mem>>
    %dma_start3A_88 = arith.constant 0 : i32
    %dma_start3A_89 = arith.constant 0 : i32
    %dma_start3A_90 = tpu.memref_slice %arg7[%dma_start3A_78, %dma_start3A_88, %dma_start3A_89] : memref<5x32x768xf32, #tpu.memory_space<vmem>> -> memref<1x32x768xf32, #tpu.memory_space<vmem>>
    %dma_start3A_91 = tpu.memref_squeeze %dma_start3A_90 : memref<1x32x768xf32, #tpu.memory_space<vmem>> -> memref<32x768xf32, #tpu.memory_space<vmem>>
    %dma_start3A_92 = arith.constant 0 : i32
    %dma_start3A_93 = tpu.memref_slice %arg3[%add3A_77, %dma_start3A_92] : memref<50304x768xf32, #tpu.memory_space<hbm>> -> memref<32x768xf32, #tpu.memory_space<hbm>>
    tpu.enqueue_dma source(%dma_start3A_93 : memref<32x768xf32, #tpu.memory_space<hbm>>) target(%dma_start3A_91 : memref<32x768xf32, #tpu.memory_space<vmem>>) target_semaphore(%dma_start3A_87 : memref<!tpu.dma_semaphore, #tpu.memory_space<semaphore_mem>>)
    %add3A_94 = arith.constant 0 : i32
    %add3A_95 = arith.addi %mul3A_2, %add3A_94 : i32
    %dma_start3A_96 = arith.constant 2 : i32
    %dma_start3A_97 = arith.constant 2 : i32
    %dma_start3A_98 = arith.constant 0 : i32
    %dma_start3A_99 = arith.constant 0 : i32
    %dma_start3A_100 = tpu.memref_slice %arg7[%dma_start3A_96, %dma_start3A_98, %dma_start3A_99] : memref<5x32x768xf32, #tpu.memory_space<vmem>> -> memref<1x32x768xf32, #tpu.memory_space<vmem>>
    %dma_start3A_101 = tpu.memref_squeeze %dma_start3A_100 : memref<1x32x768xf32, #tpu.memory_space<vmem>> -> memref<32x768xf32, #tpu.memory_space<vmem>>
    %dma_start3A_102 = arith.constant 0 : i32
    %dma_start3A_103 = tpu.memref_slice %arg3[%add3A_95, %dma_start3A_102] : memref<50304x768xf32, #tpu.memory_space<hbm>> -> memref<32x768xf32, #tpu.memory_space<hbm>>
    %dma_start3A_104 = tpu.memref_slice %arg8[%dma_start3A_97] : memref<5x!tpu.dma_semaphore, #tpu.memory_space<semaphore_mem>> -> memref<1x!tpu.dma_semaphore, #tpu.memory_space<semaphore_mem>>
    %dma_start3A_105 = tpu.memref_squeeze %dma_start3A_104 : memref<1x!tpu.dma_semaphore, #tpu.memory_space<semaphore_mem>> -> memref<!tpu.dma_semaphore, #tpu.memory_space<semaphore_mem>>
    %dma_start3A_106 = arith.constant 0 : i32
    %dma_start3A_107 = arith.constant 0 : i32
    %dma_start3A_108 = tpu.memref_slice %arg7[%dma_start3A_96, %dma_start3A_106, %dma_start3A_107] : memref<5x32x768xf32, #tpu.memory_space<vmem>> -> memref<1x32x768xf32, #tpu.memory_space<vmem>>
    %dma_start3A_109 = tpu.memref_squeeze %dma_start3A_108 : memref<1x32x768xf32, #tpu.memory_space<vmem>> -> memref<32x768xf32, #tpu.memory_space<vmem>>
    %dma_start3A_110 = arith.constant 0 : i32
    %dma_start3A_111 = tpu.memref_slice %arg3[%add3A_95, %dma_start3A_110] : memref<50304x768xf32, #tpu.memory_space<hbm>> -> memref<32x768xf32, #tpu.memory_space<hbm>>
    tpu.enqueue_dma source(%dma_start3A_111 : memref<32x768xf32, #tpu.memory_space<hbm>>) target(%dma_start3A_109 : memref<32x768xf32, #tpu.memory_space<vmem>>) target_semaphore(%dma_start3A_105 : memref<!tpu.dma_semaphore, #tpu.memory_space<semaphore_mem>>)
    %add3A_112 = arith.constant 0 : i32
    %add3A_113 = arith.addi %mul3A_2, %add3A_112 : i32
    %dma_start3A_114 = arith.constant 3 : i32
    %dma_start3A_115 = arith.constant 3 : i32
    %dma_start3A_116 = arith.constant 0 : i32
    %dma_start3A_117 = arith.constant 0 : i32
    %dma_start3A_118 = tpu.memref_slice %arg7[%dma_start3A_114, %dma_start3A_116, %dma_start3A_117] : memref<5x32x768xf32, #tpu.memory_space<vmem>> -> memref<1x32x768xf32, #tpu.memory_space<vmem>>
    %dma_start3A_119 = tpu.memref_squeeze %dma_start3A_118 : memref<1x32x768xf32, #tpu.memory_space<vmem>> -> memref<32x768xf32, #tpu.memory_space<vmem>>
    %dma_start3A_120 = arith.constant 0 : i32
    %dma_start3A_121 = tpu.memref_slice %arg3[%add3A_113, %dma_start3A_120] : memref<50304x768xf32, #tpu.memory_space<hbm>> -> memref<32x768xf32, #tpu.memory_space<hbm>>
    %dma_start3A_122 = tpu.memref_slice %arg8[%dma_start3A_115] : memref<5x!tpu.dma_semaphore, #tpu.memory_space<semaphore_mem>> -> memref<1x!tpu.dma_semaphore, #tpu.memory_space<semaphore_mem>>
    %dma_start3A_123 = tpu.memref_squeeze %dma_start3A_122 : memref<1x!tpu.dma_semaphore, #tpu.memory_space<semaphore_mem>> -> memref<!tpu.dma_semaphore, #tpu.memory_space<semaphore_mem>>
    %dma_start3A_124 = arith.constant 0 : i32
    %dma_start3A_125 = arith.constant 0 : i32
    %dma_start3A_126 = tpu.memref_slice %arg7[%dma_start3A_114, %dma_start3A_124, %dma_start3A_125] : memref<5x32x768xf32, #tpu.memory_space<vmem>> -> memref<1x32x768xf32, #tpu.memory_space<vmem>>
    %dma_start3A_127 = tpu.memref_squeeze %dma_start3A_126 : memref<1x32x768xf32, #tpu.memory_space<vmem>> -> memref<32x768xf32, #tpu.memory_space<vmem>>
    %dma_start3A_128 = arith.constant 0 : i32
    %dma_start3A_129 = tpu.memref_slice %arg3[%add3A_113, %dma_start3A_128] : memref<50304x768xf32, #tpu.memory_space<hbm>> -> memref<32x768xf32, #tpu.memory_space<hbm>>
    tpu.enqueue_dma source(%dma_start3A_129 : memref<32x768xf32, #tpu.memory_space<hbm>>) target(%dma_start3A_127 : memref<32x768xf32, #tpu.memory_space<vmem>>) target_semaphore(%dma_start3A_123 : memref<!tpu.dma_semaphore, #tpu.memory_space<semaphore_mem>>)
    %add3A_130 = arith.constant 32 : i32
    %add3A_131 = arith.addi %mul3A_2, %add3A_130 : i32
    %dma_start3A_132 = arith.constant 4 : i32
    %dma_start3A_133 = arith.constant 4 : i32
    %dma_start3A_134 = arith.constant 0 : i32
    %dma_start3A_135 = arith.constant 0 : i32
    %dma_start3A_136 = tpu.memref_slice %arg7[%dma_start3A_132, %dma_start3A_134, %dma_start3A_135] : memref<5x32x768xf32, #tpu.memory_space<vmem>> -> memref<1x32x768xf32, #tpu.memory_space<vmem>>
    %dma_start3A_137 = tpu.memref_squeeze %dma_start3A_136 : memref<1x32x768xf32, #tpu.memory_space<vmem>> -> memref<32x768xf32, #tpu.memory_space<vmem>>
    %dma_start3A_138 = arith.constant 0 : i32
    %dma_start3A_139 = tpu.memref_slice %arg3[%add3A_131, %dma_start3A_138] : memref<50304x768xf32, #tpu.memory_space<hbm>> -> memref<32x768xf32, #tpu.memory_space<hbm>>
    %dma_start3A_140 = tpu.memref_slice %arg8[%dma_start3A_133] : memref<5x!tpu.dma_semaphore, #tpu.memory_space<semaphore_mem>> -> memref<1x!tpu.dma_semaphore, #tpu.memory_space<semaphore_mem>>
    %dma_start3A_141 = tpu.memref_squeeze %dma_start3A_140 : memref<1x!tpu.dma_semaphore, #tpu.memory_space<semaphore_mem>> -> memref<!tpu.dma_semaphore, #tpu.memory_space<semaphore_mem>>
    %dma_start3A_142 = arith.constant 0 : i32
    %dma_start3A_143 = arith.constant 0 : i32
    %dma_start3A_144 = tpu.memref_slice %arg7[%dma_start3A_132, %dma_start3A_142, %dma_start3A_143] : memref<5x32x768xf32, #tpu.memory_space<vmem>> -> memref<1x32x768xf32, #tpu.memory_space<vmem>>
    %dma_start3A_145 = tpu.memref_squeeze %dma_start3A_144 : memref<1x32x768xf32, #tpu.memory_space<vmem>> -> memref<32x768xf32, #tpu.memory_space<vmem>>
    %dma_start3A_146 = arith.constant 0 : i32
    %dma_start3A_147 = tpu.memref_slice %arg3[%add3A_131, %dma_start3A_146] : memref<50304x768xf32, #tpu.memory_space<hbm>> -> memref<32x768xf32, #tpu.memory_space<hbm>>
    tpu.enqueue_dma source(%dma_start3A_147 : memref<32x768xf32, #tpu.memory_space<hbm>>) target(%dma_start3A_145 : memref<32x768xf32, #tpu.memory_space<vmem>>) target_semaphore(%dma_start3A_141 : memref<!tpu.dma_semaphore, #tpu.memory_space<semaphore_mem>>)
    %dma_wait3A = arith.constant 0 : i32
    %dma_wait3A_148 = arith.constant 0 : i32
    %dma_wait3A_149 = arith.constant 0 : i32
    %dma_wait3A_150 = tpu.memref_slice %arg6[%dma_wait3A, %dma_wait3A_149] : memref<4x64xi32, #tpu.memory_space<vmem>> -> memref<1x64xi32, #tpu.memory_space<vmem>>
    %dma_wait3A_151 = tpu.memref_squeeze %dma_wait3A_150 : memref<1x64xi32, #tpu.memory_space<vmem>> -> memref<64xi32, #tpu.memory_space<vmem>>
    %dma_wait3A_152 = tpu.memref_slice %arg2[%add3A_4] : memref<8192xi32, #tpu.memory_space<hbm>> -> memref<64xi32, #tpu.memory_space<hbm>>
    %dma_wait3A_153 = tpu.memref_slice %arg11[%dma_wait3A_148] : memref<4x!tpu.dma_semaphore, #tpu.memory_space<semaphore_mem>> -> memref<1x!tpu.dma_semaphore, #tpu.memory_space<semaphore_mem>>
    %dma_wait3A_154 = tpu.memref_squeeze %dma_wait3A_153 : memref<1x!tpu.dma_semaphore, #tpu.memory_space<semaphore_mem>> -> memref<!tpu.dma_semaphore, #tpu.memory_space<semaphore_mem>>
    %dma_wait3A_155 = arith.constant 0 : i32
    %dma_wait3A_156 = tpu.memref_slice %arg6[%dma_wait3A, %dma_wait3A_155] : memref<4x64xi32, #tpu.memory_space<vmem>> -> memref<1x64xi32, #tpu.memory_space<vmem>>
    %dma_wait3A_157 = tpu.memref_squeeze %dma_wait3A_156 : memref<1x64xi32, #tpu.memory_space<vmem>> -> memref<64xi32, #tpu.memory_space<vmem>>
    %dma_wait3A_158 = tpu.memref_slice %arg2[%add3A_4] : memref<8192xi32, #tpu.memory_space<hbm>> -> memref<64xi32, #tpu.memory_space<hbm>>
    tpu.wait_dma2 semaphore(%dma_wait3A_154 : memref<!tpu.dma_semaphore, #tpu.memory_space<semaphore_mem>>) src(%dma_wait3A_158 : memref<64xi32, #tpu.memory_space<hbm>>) dst(%dma_wait3A_157 : memref<64xi32, #tpu.memory_space<vmem>>)
    %dma_wait3A_159 = arith.constant 1 : i32
    %dma_wait3A_160 = arith.constant 1 : i32
    %dma_wait3A_161 = arith.constant 0 : i32
    %dma_wait3A_162 = tpu.memref_slice %arg6[%dma_wait3A_159, %dma_wait3A_161] : memref<4x64xi32, #tpu.memory_space<vmem>> -> memref<1x64xi32, #tpu.memory_space<vmem>>
    %dma_wait3A_163 = tpu.memref_squeeze %dma_wait3A_162 : memref<1x64xi32, #tpu.memory_space<vmem>> -> memref<64xi32, #tpu.memory_space<vmem>>
    %dma_wait3A_164 = tpu.memref_slice %arg2[%add3A_17] : memref<8192xi32, #tpu.memory_space<hbm>> -> memref<64xi32, #tpu.memory_space<hbm>>
    %dma_wait3A_165 = tpu.memref_slice %arg11[%dma_wait3A_160] : memref<4x!tpu.dma_semaphore, #tpu.memory_space<semaphore_mem>> -> memref<1x!tpu.dma_semaphore, #tpu.memory_space<semaphore_mem>>
    %dma_wait3A_166 = tpu.memref_squeeze %dma_wait3A_165 : memref<1x!tpu.dma_semaphore, #tpu.memory_space<semaphore_mem>> -> memref<!tpu.dma_semaphore, #tpu.memory_space<semaphore_mem>>
    %dma_wait3A_167 = arith.constant 0 : i32
    %dma_wait3A_168 = tpu.memref_slice %arg6[%dma_wait3A_159, %dma_wait3A_167] : memref<4x64xi32, #tpu.memory_space<vmem>> -> memref<1x64xi32, #tpu.memory_space<vmem>>
    %dma_wait3A_169 = tpu.memref_squeeze %dma_wait3A_168 : memref<1x64xi32, #tpu.memory_space<vmem>> -> memref<64xi32, #tpu.memory_space<vmem>>
    %dma_wait3A_170 = tpu.memref_slice %arg2[%add3A_17] : memref<8192xi32, #tpu.memory_space<hbm>> -> memref<64xi32, #tpu.memory_space<hbm>>
    tpu.wait_dma2 semaphore(%dma_wait3A_166 : memref<!tpu.dma_semaphore, #tpu.memory_space<semaphore_mem>>) src(%dma_wait3A_170 : memref<64xi32, #tpu.memory_space<hbm>>) dst(%dma_wait3A_169 : memref<64xi32, #tpu.memory_space<vmem>>)
    %dma_wait3A_171 = arith.constant 2 : i32
    %dma_wait3A_172 = arith.constant 2 : i32
    %dma_wait3A_173 = arith.constant 0 : i32
    %dma_wait3A_174 = tpu.memref_slice %arg6[%dma_wait3A_171, %dma_wait3A_173] : memref<4x64xi32, #tpu.memory_space<vmem>> -> memref<1x64xi32, #tpu.memory_space<vmem>>
    %dma_wait3A_175 = tpu.memref_squeeze %dma_wait3A_174 : memref<1x64xi32, #tpu.memory_space<vmem>> -> memref<64xi32, #tpu.memory_space<vmem>>
    %dma_wait3A_176 = tpu.memref_slice %arg2[%add3A_31] : memref<8192xi32, #tpu.memory_space<hbm>> -> memref<64xi32, #tpu.memory_space<hbm>>
    %dma_wait3A_177 = tpu.memref_slice %arg11[%dma_wait3A_172] : memref<4x!tpu.dma_semaphore, #tpu.memory_space<semaphore_mem>> -> memref<1x!tpu.dma_semaphore, #tpu.memory_space<semaphore_mem>>
    %dma_wait3A_178 = tpu.memref_squeeze %dma_wait3A_177 : memref<1x!tpu.dma_semaphore, #tpu.memory_space<semaphore_mem>> -> memref<!tpu.dma_semaphore, #tpu.memory_space<semaphore_mem>>
    %dma_wait3A_179 = arith.constant 0 : i32
    %dma_wait3A_180 = tpu.memref_slice %arg6[%dma_wait3A_171, %dma_wait3A_179] : memref<4x64xi32, #tpu.memory_space<vmem>> -> memref<1x64xi32, #tpu.memory_space<vmem>>
    %dma_wait3A_181 = tpu.memref_squeeze %dma_wait3A_180 : memref<1x64xi32, #tpu.memory_space<vmem>> -> memref<64xi32, #tpu.memory_space<vmem>>
    %dma_wait3A_182 = tpu.memref_slice %arg2[%add3A_31] : memref<8192xi32, #tpu.memory_space<hbm>> -> memref<64xi32, #tpu.memory_space<hbm>>
    tpu.wait_dma2 semaphore(%dma_wait3A_178 : memref<!tpu.dma_semaphore, #tpu.memory_space<semaphore_mem>>) src(%dma_wait3A_182 : memref<64xi32, #tpu.memory_space<hbm>>) dst(%dma_wait3A_181 : memref<64xi32, #tpu.memory_space<vmem>>)
    %dma_wait3A_183 = arith.constant 3 : i32
    %dma_wait3A_184 = arith.constant 3 : i32
    %dma_wait3A_185 = arith.constant 0 : i32
    %dma_wait3A_186 = tpu.memref_slice %arg6[%dma_wait3A_183, %dma_wait3A_185] : memref<4x64xi32, #tpu.memory_space<vmem>> -> memref<1x64xi32, #tpu.memory_space<vmem>>
    %dma_wait3A_187 = tpu.memref_squeeze %dma_wait3A_186 : memref<1x64xi32, #tpu.memory_space<vmem>> -> memref<64xi32, #tpu.memory_space<vmem>>
    %dma_wait3A_188 = tpu.memref_slice %arg2[%add3A_45] : memref<8192xi32, #tpu.memory_space<hbm>> -> memref<64xi32, #tpu.memory_space<hbm>>
    %dma_wait3A_189 = tpu.memref_slice %arg11[%dma_wait3A_184] : memref<4x!tpu.dma_semaphore, #tpu.memory_space<semaphore_mem>> -> memref<1x!tpu.dma_semaphore, #tpu.memory_space<semaphore_mem>>
    %dma_wait3A_190 = tpu.memref_squeeze %dma_wait3A_189 : memref<1x!tpu.dma_semaphore, #tpu.memory_space<semaphore_mem>> -> memref<!tpu.dma_semaphore, #tpu.memory_space<semaphore_mem>>
    %dma_wait3A_191 = arith.constant 0 : i32
    %dma_wait3A_192 = tpu.memref_slice %arg6[%dma_wait3A_183, %dma_wait3A_191] : memref<4x64xi32, #tpu.memory_space<vmem>> -> memref<1x64xi32, #tpu.memory_space<vmem>>
    %dma_wait3A_193 = tpu.memref_squeeze %dma_wait3A_192 : memref<1x64xi32, #tpu.memory_space<vmem>> -> memref<64xi32, #tpu.memory_space<vmem>>
    %dma_wait3A_194 = tpu.memref_slice %arg2[%add3A_45] : memref<8192xi32, #tpu.memory_space<hbm>> -> memref<64xi32, #tpu.memory_space<hbm>>
    tpu.wait_dma2 semaphore(%dma_wait3A_190 : memref<!tpu.dma_semaphore, #tpu.memory_space<semaphore_mem>>) src(%dma_wait3A_194 : memref<64xi32, #tpu.memory_space<hbm>>) dst(%dma_wait3A_193 : memref<64xi32, #tpu.memory_space<vmem>>)
    %dma_wait3A_195 = arith.constant 0 : i32
    %dma_wait3A_196 = arith.constant 0 : i32
    %dma_wait3A_197 = arith.constant 0 : i32
    %dma_wait3A_198 = arith.constant 0 : i32
    %dma_wait3A_199 = tpu.memref_slice %arg7[%dma_wait3A_195, %dma_wait3A_197, %dma_wait3A_198] : memref<5x32x768xf32, #tpu.memory_space<vmem>> -> memref<1x32x768xf32, #tpu.memory_space<vmem>>
    %dma_wait3A_200 = tpu.memref_squeeze %dma_wait3A_199 : memref<1x32x768xf32, #tpu.memory_space<vmem>> -> memref<32x768xf32, #tpu.memory_space<vmem>>
    %dma_wait3A_201 = arith.constant 0 : i32
    %dma_wait3A_202 = tpu.memref_slice %arg3[%add3A_59, %dma_wait3A_201] : memref<50304x768xf32, #tpu.memory_space<hbm>> -> memref<32x768xf32, #tpu.memory_space<hbm>>
    %dma_wait3A_203 = tpu.memref_slice %arg8[%dma_wait3A_196] : memref<5x!tpu.dma_semaphore, #tpu.memory_space<semaphore_mem>> -> memref<1x!tpu.dma_semaphore, #tpu.memory_space<semaphore_mem>>
    %dma_wait3A_204 = tpu.memref_squeeze %dma_wait3A_203 : memref<1x!tpu.dma_semaphore, #tpu.memory_space<semaphore_mem>> -> memref<!tpu.dma_semaphore, #tpu.memory_space<semaphore_mem>>
    %dma_wait3A_205 = arith.constant 0 : i32
    %dma_wait3A_206 = arith.constant 0 : i32
    %dma_wait3A_207 = tpu.memref_slice %arg7[%dma_wait3A_195, %dma_wait3A_205, %dma_wait3A_206] : memref<5x32x768xf32, #tpu.memory_space<vmem>> -> memref<1x32x768xf32, #tpu.memory_space<vmem>>
    %dma_wait3A_208 = tpu.memref_squeeze %dma_wait3A_207 : memref<1x32x768xf32, #tpu.memory_space<vmem>> -> memref<32x768xf32, #tpu.memory_space<vmem>>
    %dma_wait3A_209 = arith.constant 0 : i32
    %dma_wait3A_210 = tpu.memref_slice %arg3[%add3A_59, %dma_wait3A_209] : memref<50304x768xf32, #tpu.memory_space<hbm>> -> memref<32x768xf32, #tpu.memory_space<hbm>>
    tpu.wait_dma2 semaphore(%dma_wait3A_204 : memref<!tpu.dma_semaphore, #tpu.memory_space<semaphore_mem>>) src(%dma_wait3A_210 : memref<32x768xf32, #tpu.memory_space<hbm>>) dst(%dma_wait3A_208 : memref<32x768xf32, #tpu.memory_space<vmem>>)
    %dma_start3A_211 = arith.constant 0 : i32
    %dma_start3A_212 = arith.constant 0 : i32
    %dma_start3A_213 = arith.constant 0 : i32
    %dma_start3A_214 = arith.constant 0 : i32
    %dma_start3A_215 = arith.constant 0 : i32
    %dma_start3A_216 = tpu.memref_slice %arg7[%dma_start3A_212, %dma_start3A_214, %dma_start3A_215] : memref<5x32x768xf32, #tpu.memory_space<vmem>> -> memref<1x32x768xf32, #tpu.memory_space<vmem>>
    %dma_start3A_217 = tpu.memref_squeeze %dma_start3A_216 : memref<1x32x768xf32, #tpu.memory_space<vmem>> -> memref<32x768xf32, #tpu.memory_space<vmem>>
    %dma_start3A_218 = arith.constant 0 : i32
    %dma_start3A_219 = tpu.memref_slice %arg6[%dma_start3A_211, %dma_start3A_218] : memref<4x64xi32, #tpu.memory_space<vmem>> -> memref<1x32xi32, #tpu.memory_space<vmem>>
    %dma_start3A_220 = tpu.memref_squeeze %dma_start3A_219 : memref<1x32xi32, #tpu.memory_space<vmem>> -> memref<32xi32, #tpu.memory_space<vmem>>
    %dma_start3A_221 = arith.constant 0 : i32
    %dma_start3A_222 = arith.constant 0 : i32
    %dma_start3A_223 = tpu.memref_slice %arg4[%dma_start3A_221, %dma_start3A_222] : memref<2048x768xf32, #tpu.memory_space<hbm>> -> memref<2048x768xf32, #tpu.memory_space<hbm>>
    %dma_start3A_224 = tpu.memref_slice %arg9[%dma_start3A_213] : memref<5x!tpu.dma_semaphore, #tpu.memory_space<semaphore_mem>> -> memref<1x!tpu.dma_semaphore, #tpu.memory_space<semaphore_mem>>
    %dma_start3A_225 = tpu.memref_squeeze %dma_start3A_224 : memref<1x!tpu.dma_semaphore, #tpu.memory_space<semaphore_mem>> -> memref<!tpu.dma_semaphore, #tpu.memory_space<semaphore_mem>>
    tpu.enqueue_indirect_dma source(%dma_start3A_223 : memref<2048x768xf32, #tpu.memory_space<hbm>>) target(%dma_start3A_217 : memref<32x768xf32, #tpu.memory_space<vmem>>) offsets(%dma_start3A_220 : memref<32xi32, #tpu.memory_space<vmem>>) semaphore(%dma_start3A_225 : memref<!tpu.dma_semaphore, #tpu.memory_space<semaphore_mem>>) {add = true}
    %dma_wait3A_226 = arith.constant 1 : i32
    %dma_wait3A_227 = arith.constant 1 : i32
    %dma_wait3A_228 = arith.constant 0 : i32
    %dma_wait3A_229 = arith.constant 0 : i32
    %dma_wait3A_230 = tpu.memref_slice %arg7[%dma_wait3A_226, %dma_wait3A_228, %dma_wait3A_229] : memref<5x32x768xf32, #tpu.memory_space<vmem>> -> memref<1x32x768xf32, #tpu.memory_space<vmem>>
    %dma_wait3A_231 = tpu.memref_squeeze %dma_wait3A_230 : memref<1x32x768xf32, #tpu.memory_space<vmem>> -> memref<32x768xf32, #tpu.memory_space<vmem>>
    %dma_wait3A_232 = arith.constant 0 : i32
    %dma_wait3A_233 = tpu.memref_slice %arg3[%add3A_77, %dma_wait3A_232] : memref<50304x768xf32, #tpu.memory_space<hbm>> -> memref<32x768xf32, #tpu.memory_space<hbm>>
    %dma_wait3A_234 = tpu.memref_slice %arg8[%dma_wait3A_227] : memref<5x!tpu.dma_semaphore, #tpu.memory_space<semaphore_mem>> -> memref<1x!tpu.dma_semaphore, #tpu.memory_space<semaphore_mem>>
    %dma_wait3A_235 = tpu.memref_squeeze %dma_wait3A_234 : memref<1x!tpu.dma_semaphore, #tpu.memory_space<semaphore_mem>> -> memref<!tpu.dma_semaphore, #tpu.memory_space<semaphore_mem>>
    %dma_wait3A_236 = arith.constant 0 : i32
    %dma_wait3A_237 = arith.constant 0 : i32
    %dma_wait3A_238 = tpu.memref_slice %arg7[%dma_wait3A_226, %dma_wait3A_236, %dma_wait3A_237] : memref<5x32x768xf32, #tpu.memory_space<vmem>> -> memref<1x32x768xf32, #tpu.memory_space<vmem>>
    %dma_wait3A_239 = tpu.memref_squeeze %dma_wait3A_238 : memref<1x32x768xf32, #tpu.memory_space<vmem>> -> memref<32x768xf32, #tpu.memory_space<vmem>>
    %dma_wait3A_240 = arith.constant 0 : i32
    %dma_wait3A_241 = tpu.memref_slice %arg3[%add3A_77, %dma_wait3A_240] : memref<50304x768xf32, #tpu.memory_space<hbm>> -> memref<32x768xf32, #tpu.memory_space<hbm>>
    tpu.wait_dma2 semaphore(%dma_wait3A_235 : memref<!tpu.dma_semaphore, #tpu.memory_space<semaphore_mem>>) src(%dma_wait3A_241 : memref<32x768xf32, #tpu.memory_space<hbm>>) dst(%dma_wait3A_239 : memref<32x768xf32, #tpu.memory_space<vmem>>)
    %dma_start3A_242 = arith.constant 1 : i32
    %dma_start3A_243 = arith.constant 1 : i32
    %dma_start3A_244 = arith.constant 1 : i32
    %dma_start3A_245 = arith.constant 0 : i32
    %dma_start3A_246 = arith.constant 0 : i32
    %dma_start3A_247 = tpu.memref_slice %arg7[%dma_start3A_243, %dma_start3A_245, %dma_start3A_246] : memref<5x32x768xf32, #tpu.memory_space<vmem>> -> memref<1x32x768xf32, #tpu.memory_space<vmem>>
    %dma_start3A_248 = tpu.memref_squeeze %dma_start3A_247 : memref<1x32x768xf32, #tpu.memory_space<vmem>> -> memref<32x768xf32, #tpu.memory_space<vmem>>
    %dma_start3A_249 = arith.constant 0 : i32
    %dma_start3A_250 = tpu.memref_slice %arg6[%dma_start3A_242, %dma_start3A_249] : memref<4x64xi32, #tpu.memory_space<vmem>> -> memref<1x32xi32, #tpu.memory_space<vmem>>
    %dma_start3A_251 = tpu.memref_squeeze %dma_start3A_250 : memref<1x32xi32, #tpu.memory_space<vmem>> -> memref<32xi32, #tpu.memory_space<vmem>>
    %dma_start3A_252 = arith.constant 0 : i32
    %dma_start3A_253 = arith.constant 0 : i32
    %dma_start3A_254 = tpu.memref_slice %arg4[%dma_start3A_252, %dma_start3A_253] : memref<2048x768xf32, #tpu.memory_space<hbm>> -> memref<2048x768xf32, #tpu.memory_space<hbm>>
    %dma_start3A_255 = tpu.memref_slice %arg9[%dma_start3A_244] : memref<5x!tpu.dma_semaphore, #tpu.memory_space<semaphore_mem>> -> memref<1x!tpu.dma_semaphore, #tpu.memory_space<semaphore_mem>>
    %dma_start3A_256 = tpu.memref_squeeze %dma_start3A_255 : memref<1x!tpu.dma_semaphore, #tpu.memory_space<semaphore_mem>> -> memref<!tpu.dma_semaphore, #tpu.memory_space<semaphore_mem>>
    tpu.enqueue_indirect_dma source(%dma_start3A_254 : memref<2048x768xf32, #tpu.memory_space<hbm>>) target(%dma_start3A_248 : memref<32x768xf32, #tpu.memory_space<vmem>>) offsets(%dma_start3A_251 : memref<32xi32, #tpu.memory_space<vmem>>) semaphore(%dma_start3A_256 : memref<!tpu.dma_semaphore, #tpu.memory_space<semaphore_mem>>) {add = true}
    %dma_wait3A_257 = arith.constant 2 : i32
    %dma_wait3A_258 = arith.constant 2 : i32
    %dma_wait3A_259 = arith.constant 0 : i32
    %dma_wait3A_260 = arith.constant 0 : i32
    %dma_wait3A_261 = tpu.memref_slice %arg7[%dma_wait3A_257, %dma_wait3A_259, %dma_wait3A_260] : memref<5x32x768xf32, #tpu.memory_space<vmem>> -> memref<1x32x768xf32, #tpu.memory_space<vmem>>
    %dma_wait3A_262 = tpu.memref_squeeze %dma_wait3A_261 : memref<1x32x768xf32, #tpu.memory_space<vmem>> -> memref<32x768xf32, #tpu.memory_space<vmem>>
    %dma_wait3A_263 = arith.constant 0 : i32
    %dma_wait3A_264 = tpu.memref_slice %arg3[%add3A_95, %dma_wait3A_263] : memref<50304x768xf32, #tpu.memory_space<hbm>> -> memref<32x768xf32, #tpu.memory_space<hbm>>
    %dma_wait3A_265 = tpu.memref_slice %arg8[%dma_wait3A_258] : memref<5x!tpu.dma_semaphore, #tpu.memory_space<semaphore_mem>> -> memref<1x!tpu.dma_semaphore, #tpu.memory_space<semaphore_mem>>
    %dma_wait3A_266 = tpu.memref_squeeze %dma_wait3A_265 : memref<1x!tpu.dma_semaphore, #tpu.memory_space<semaphore_mem>> -> memref<!tpu.dma_semaphore, #tpu.memory_space<semaphore_mem>>
    %dma_wait3A_267 = arith.constant 0 : i32
    %dma_wait3A_268 = arith.constant 0 : i32
    %dma_wait3A_269 = tpu.memref_slice %arg7[%dma_wait3A_257, %dma_wait3A_267, %dma_wait3A_268] : memref<5x32x768xf32, #tpu.memory_space<vmem>> -> memref<1x32x768xf32, #tpu.memory_space<vmem>>
    %dma_wait3A_270 = tpu.memref_squeeze %dma_wait3A_269 : memref<1x32x768xf32, #tpu.memory_space<vmem>> -> memref<32x768xf32, #tpu.memory_space<vmem>>
    %dma_wait3A_271 = arith.constant 0 : i32
    %dma_wait3A_272 = tpu.memref_slice %arg3[%add3A_95, %dma_wait3A_271] : memref<50304x768xf32, #tpu.memory_space<hbm>> -> memref<32x768xf32, #tpu.memory_space<hbm>>
    tpu.wait_dma2 semaphore(%dma_wait3A_266 : memref<!tpu.dma_semaphore, #tpu.memory_space<semaphore_mem>>) src(%dma_wait3A_272 : memref<32x768xf32, #tpu.memory_space<hbm>>) dst(%dma_wait3A_270 : memref<32x768xf32, #tpu.memory_space<vmem>>)
    %dma_start3A_273 = arith.constant 2 : i32
    %dma_start3A_274 = arith.constant 2 : i32
    %dma_start3A_275 = arith.constant 2 : i32
    %dma_start3A_276 = arith.constant 0 : i32
    %dma_start3A_277 = arith.constant 0 : i32
    %dma_start3A_278 = tpu.memref_slice %arg7[%dma_start3A_274, %dma_start3A_276, %dma_start3A_277] : memref<5x32x768xf32, #tpu.memory_space<vmem>> -> memref<1x32x768xf32, #tpu.memory_space<vmem>>
    %dma_start3A_279 = tpu.memref_squeeze %dma_start3A_278 : memref<1x32x768xf32, #tpu.memory_space<vmem>> -> memref<32x768xf32, #tpu.memory_space<vmem>>
    %dma_start3A_280 = arith.constant 0 : i32
    %dma_start3A_281 = tpu.memref_slice %arg6[%dma_start3A_273, %dma_start3A_280] : memref<4x64xi32, #tpu.memory_space<vmem>> -> memref<1x32xi32, #tpu.memory_space<vmem>>
    %dma_start3A_282 = tpu.memref_squeeze %dma_start3A_281 : memref<1x32xi32, #tpu.memory_space<vmem>> -> memref<32xi32, #tpu.memory_space<vmem>>
    %dma_start3A_283 = arith.constant 0 : i32
    %dma_start3A_284 = arith.constant 0 : i32
    %dma_start3A_285 = tpu.memref_slice %arg4[%dma_start3A_283, %dma_start3A_284] : memref<2048x768xf32, #tpu.memory_space<hbm>> -> memref<2048x768xf32, #tpu.memory_space<hbm>>
    %dma_start3A_286 = tpu.memref_slice %arg9[%dma_start3A_275] : memref<5x!tpu.dma_semaphore, #tpu.memory_space<semaphore_mem>> -> memref<1x!tpu.dma_semaphore, #tpu.memory_space<semaphore_mem>>
    %dma_start3A_287 = tpu.memref_squeeze %dma_start3A_286 : memref<1x!tpu.dma_semaphore, #tpu.memory_space<semaphore_mem>> -> memref<!tpu.dma_semaphore, #tpu.memory_space<semaphore_mem>>
    tpu.enqueue_indirect_dma source(%dma_start3A_285 : memref<2048x768xf32, #tpu.memory_space<hbm>>) target(%dma_start3A_279 : memref<32x768xf32, #tpu.memory_space<vmem>>) offsets(%dma_start3A_282 : memref<32xi32, #tpu.memory_space<vmem>>) semaphore(%dma_start3A_287 : memref<!tpu.dma_semaphore, #tpu.memory_space<semaphore_mem>>) {add = true}
    %dma_wait3A_288 = arith.constant 3 : i32
    %dma_wait3A_289 = arith.constant 3 : i32
    %dma_wait3A_290 = arith.constant 0 : i32
    %dma_wait3A_291 = arith.constant 0 : i32
    %dma_wait3A_292 = tpu.memref_slice %arg7[%dma_wait3A_288, %dma_wait3A_290, %dma_wait3A_291] : memref<5x32x768xf32, #tpu.memory_space<vmem>> -> memref<1x32x768xf32, #tpu.memory_space<vmem>>
    %dma_wait3A_293 = tpu.memref_squeeze %dma_wait3A_292 : memref<1x32x768xf32, #tpu.memory_space<vmem>> -> memref<32x768xf32, #tpu.memory_space<vmem>>
    %dma_wait3A_294 = arith.constant 0 : i32
    %dma_wait3A_295 = tpu.memref_slice %arg3[%add3A_113, %dma_wait3A_294] : memref<50304x768xf32, #tpu.memory_space<hbm>> -> memref<32x768xf32, #tpu.memory_space<hbm>>
    %dma_wait3A_296 = tpu.memref_slice %arg8[%dma_wait3A_289] : memref<5x!tpu.dma_semaphore, #tpu.memory_space<semaphore_mem>> -> memref<1x!tpu.dma_semaphore, #tpu.memory_space<semaphore_mem>>
    %dma_wait3A_297 = tpu.memref_squeeze %dma_wait3A_296 : memref<1x!tpu.dma_semaphore, #tpu.memory_space<semaphore_mem>> -> memref<!tpu.dma_semaphore, #tpu.memory_space<semaphore_mem>>
    %dma_wait3A_298 = arith.constant 0 : i32
    %dma_wait3A_299 = arith.constant 0 : i32
    %dma_wait3A_300 = tpu.memref_slice %arg7[%dma_wait3A_288, %dma_wait3A_298, %dma_wait3A_299] : memref<5x32x768xf32, #tpu.memory_space<vmem>> -> memref<1x32x768xf32, #tpu.memory_space<vmem>>
    %dma_wait3A_301 = tpu.memref_squeeze %dma_wait3A_300 : memref<1x32x768xf32, #tpu.memory_space<vmem>> -> memref<32x768xf32, #tpu.memory_space<vmem>>
    %dma_wait3A_302 = arith.constant 0 : i32
    %dma_wait3A_303 = tpu.memref_slice %arg3[%add3A_113, %dma_wait3A_302] : memref<50304x768xf32, #tpu.memory_space<hbm>> -> memref<32x768xf32, #tpu.memory_space<hbm>>
    tpu.wait_dma2 semaphore(%dma_wait3A_297 : memref<!tpu.dma_semaphore, #tpu.memory_space<semaphore_mem>>) src(%dma_wait3A_303 : memref<32x768xf32, #tpu.memory_space<hbm>>) dst(%dma_wait3A_301 : memref<32x768xf32, #tpu.memory_space<vmem>>)
    %dma_start3A_304 = arith.constant 3 : i32
    %dma_start3A_305 = arith.constant 3 : i32
    %dma_start3A_306 = arith.constant 3 : i32
    %dma_start3A_307 = arith.constant 0 : i32
    %dma_start3A_308 = arith.constant 0 : i32
    %dma_start3A_309 = tpu.memref_slice %arg7[%dma_start3A_305, %dma_start3A_307, %dma_start3A_308] : memref<5x32x768xf32, #tpu.memory_space<vmem>> -> memref<1x32x768xf32, #tpu.memory_space<vmem>>
    %dma_start3A_310 = tpu.memref_squeeze %dma_start3A_309 : memref<1x32x768xf32, #tpu.memory_space<vmem>> -> memref<32x768xf32, #tpu.memory_space<vmem>>
    %dma_start3A_311 = arith.constant 0 : i32
    %dma_start3A_312 = tpu.memref_slice %arg6[%dma_start3A_304, %dma_start3A_311] : memref<4x64xi32, #tpu.memory_space<vmem>> -> memref<1x32xi32, #tpu.memory_space<vmem>>
    %dma_start3A_313 = tpu.memref_squeeze %dma_start3A_312 : memref<1x32xi32, #tpu.memory_space<vmem>> -> memref<32xi32, #tpu.memory_space<vmem>>
    %dma_start3A_314 = arith.constant 0 : i32
    %dma_start3A_315 = arith.constant 0 : i32
    %dma_start3A_316 = tpu.memref_slice %arg4[%dma_start3A_314, %dma_start3A_315] : memref<2048x768xf32, #tpu.memory_space<hbm>> -> memref<2048x768xf32, #tpu.memory_space<hbm>>
    %dma_start3A_317 = tpu.memref_slice %arg9[%dma_start3A_306] : memref<5x!tpu.dma_semaphore, #tpu.memory_space<semaphore_mem>> -> memref<1x!tpu.dma_semaphore, #tpu.memory_space<semaphore_mem>>
    %dma_start3A_318 = tpu.memref_squeeze %dma_start3A_317 : memref<1x!tpu.dma_semaphore, #tpu.memory_space<semaphore_mem>> -> memref<!tpu.dma_semaphore, #tpu.memory_space<semaphore_mem>>
    tpu.enqueue_indirect_dma source(%dma_start3A_316 : memref<2048x768xf32, #tpu.memory_space<hbm>>) target(%dma_start3A_310 : memref<32x768xf32, #tpu.memory_space<vmem>>) offsets(%dma_start3A_313 : memref<32xi32, #tpu.memory_space<vmem>>) semaphore(%dma_start3A_318 : memref<!tpu.dma_semaphore, #tpu.memory_space<semaphore_mem>>) {add = true}
    %dma_wait3A_319 = arith.constant 4 : i32
    %dma_wait3A_320 = arith.constant 4 : i32
    %dma_wait3A_321 = arith.constant 0 : i32
    %dma_wait3A_322 = arith.constant 0 : i32
    %dma_wait3A_323 = tpu.memref_slice %arg7[%dma_wait3A_319, %dma_wait3A_321, %dma_wait3A_322] : memref<5x32x768xf32, #tpu.memory_space<vmem>> -> memref<1x32x768xf32, #tpu.memory_space<vmem>>
    %dma_wait3A_324 = tpu.memref_squeeze %dma_wait3A_323 : memref<1x32x768xf32, #tpu.memory_space<vmem>> -> memref<32x768xf32, #tpu.memory_space<vmem>>
    %dma_wait3A_325 = arith.constant 0 : i32
    %dma_wait3A_326 = tpu.memref_slice %arg3[%add3A_131, %dma_wait3A_325] : memref<50304x768xf32, #tpu.memory_space<hbm>> -> memref<32x768xf32, #tpu.memory_space<hbm>>
    %dma_wait3A_327 = tpu.memref_slice %arg8[%dma_wait3A_320] : memref<5x!tpu.dma_semaphore, #tpu.memory_space<semaphore_mem>> -> memref<1x!tpu.dma_semaphore, #tpu.memory_space<semaphore_mem>>
    %dma_wait3A_328 = tpu.memref_squeeze %dma_wait3A_327 : memref<1x!tpu.dma_semaphore, #tpu.memory_space<semaphore_mem>> -> memref<!tpu.dma_semaphore, #tpu.memory_space<semaphore_mem>>
    %dma_wait3A_329 = arith.constant 0 : i32
    %dma_wait3A_330 = arith.constant 0 : i32
    %dma_wait3A_331 = tpu.memref_slice %arg7[%dma_wait3A_319, %dma_wait3A_329, %dma_wait3A_330] : memref<5x32x768xf32, #tpu.memory_space<vmem>> -> memref<1x32x768xf32, #tpu.memory_space<vmem>>
    %dma_wait3A_332 = tpu.memref_squeeze %dma_wait3A_331 : memref<1x32x768xf32, #tpu.memory_space<vmem>> -> memref<32x768xf32, #tpu.memory_space<vmem>>
    %dma_wait3A_333 = arith.constant 0 : i32
    %dma_wait3A_334 = tpu.memref_slice %arg3[%add3A_131, %dma_wait3A_333] : memref<50304x768xf32, #tpu.memory_space<hbm>> -> memref<32x768xf32, #tpu.memory_space<hbm>>
    tpu.wait_dma2 semaphore(%dma_wait3A_328 : memref<!tpu.dma_semaphore, #tpu.memory_space<semaphore_mem>>) src(%dma_wait3A_334 : memref<32x768xf32, #tpu.memory_space<hbm>>) dst(%dma_wait3A_332 : memref<32x768xf32, #tpu.memory_space<vmem>>)
    %dma_start3A_335 = arith.constant 0 : i32
    %dma_start3A_336 = arith.constant 4 : i32
    %dma_start3A_337 = arith.constant 4 : i32
    %dma_start3A_338 = arith.constant 0 : i32
    %dma_start3A_339 = arith.constant 0 : i32
    %dma_start3A_340 = tpu.memref_slice %arg7[%dma_start3A_336, %dma_start3A_338, %dma_start3A_339] : memref<5x32x768xf32, #tpu.memory_space<vmem>> -> memref<1x32x768xf32, #tpu.memory_space<vmem>>
    %dma_start3A_341 = tpu.memref_squeeze %dma_start3A_340 : memref<1x32x768xf32, #tpu.memory_space<vmem>> -> memref<32x768xf32, #tpu.memory_space<vmem>>
    %dma_start3A_342 = arith.constant 32 : i32
    %dma_start3A_343 = tpu.memref_slice %arg6[%dma_start3A_335, %dma_start3A_342] : memref<4x64xi32, #tpu.memory_space<vmem>> -> memref<1x32xi32, #tpu.memory_space<vmem>>
    %dma_start3A_344 = tpu.memref_squeeze %dma_start3A_343 : memref<1x32xi32, #tpu.memory_space<vmem>> -> memref<32xi32, #tpu.memory_space<vmem>>
    %dma_start3A_345 = arith.constant 0 : i32
    %dma_start3A_346 = arith.constant 0 : i32
    %dma_start3A_347 = tpu.memref_slice %arg4[%dma_start3A_345, %dma_start3A_346] : memref<2048x768xf32, #tpu.memory_space<hbm>> -> memref<2048x768xf32, #tpu.memory_space<hbm>>
    %dma_start3A_348 = tpu.memref_slice %arg9[%dma_start3A_337] : memref<5x!tpu.dma_semaphore, #tpu.memory_space<semaphore_mem>> -> memref<1x!tpu.dma_semaphore, #tpu.memory_space<semaphore_mem>>
    %dma_start3A_349 = tpu.memref_squeeze %dma_start3A_348 : memref<1x!tpu.dma_semaphore, #tpu.memory_space<semaphore_mem>> -> memref<!tpu.dma_semaphore, #tpu.memory_space<semaphore_mem>>
    tpu.enqueue_indirect_dma source(%dma_start3A_347 : memref<2048x768xf32, #tpu.memory_space<hbm>>) target(%dma_start3A_341 : memref<32x768xf32, #tpu.memory_space<vmem>>) offsets(%dma_start3A_344 : memref<32xi32, #tpu.memory_space<vmem>>) semaphore(%dma_start3A_349 : memref<!tpu.dma_semaphore, #tpu.memory_space<semaphore_mem>>) {add = true}
    %dma_wait3A_350 = arith.constant 0 : i32
    %dma_wait3A_351 = arith.constant 0 : i32
    %dma_wait3A_352 = arith.constant 0 : i32
    %dma_wait3A_353 = arith.constant 0 : i32
    %dma_wait3A_354 = arith.constant 0 : i32
    %dma_wait3A_355 = tpu.memref_slice %arg7[%dma_wait3A_351, %dma_wait3A_353, %dma_wait3A_354] : memref<5x32x768xf32, #tpu.memory_space<vmem>> -> memref<1x32x768xf32, #tpu.memory_space<vmem>>
    %dma_wait3A_356 = tpu.memref_squeeze %dma_wait3A_355 : memref<1x32x768xf32, #tpu.memory_space<vmem>> -> memref<32x768xf32, #tpu.memory_space<vmem>>
    %dma_wait3A_357 = arith.constant 0 : i32
    %dma_wait3A_358 = tpu.memref_slice %arg6[%dma_wait3A_350, %dma_wait3A_357] : memref<4x64xi32, #tpu.memory_space<vmem>> -> memref<1x32xi32, #tpu.memory_space<vmem>>
    %dma_wait3A_359 = tpu.memref_squeeze %dma_wait3A_358 : memref<1x32xi32, #tpu.memory_space<vmem>> -> memref<32xi32, #tpu.memory_space<vmem>>
    %dma_wait3A_360 = arith.constant 0 : i32
    %dma_wait3A_361 = arith.constant 0 : i32
    %dma_wait3A_362 = tpu.memref_slice %arg4[%dma_wait3A_360, %dma_wait3A_361] : memref<2048x768xf32, #tpu.memory_space<hbm>> -> memref<2048x768xf32, #tpu.memory_space<hbm>>
    %dma_wait3A_363 = tpu.memref_slice %arg9[%dma_wait3A_352] : memref<5x!tpu.dma_semaphore, #tpu.memory_space<semaphore_mem>> -> memref<1x!tpu.dma_semaphore, #tpu.memory_space<semaphore_mem>>
    %dma_wait3A_364 = tpu.memref_squeeze %dma_wait3A_363 : memref<1x!tpu.dma_semaphore, #tpu.memory_space<semaphore_mem>> -> memref<!tpu.dma_semaphore, #tpu.memory_space<semaphore_mem>>
    tpu.wait_indirect_dma semaphore(%dma_wait3A_364 : memref<!tpu.dma_semaphore, #tpu.memory_space<semaphore_mem>>) src(%dma_wait3A_362 : memref<2048x768xf32, #tpu.memory_space<hbm>>) dst(%dma_wait3A_356 : memref<32x768xf32, #tpu.memory_space<vmem>>)
    %add3A_365 = arith.constant 0 : i32
    %add3A_366 = arith.addi %add3A_365, %mul3A_2 : i32
    %add3A_367 = arith.constant 0 : i32
    %add3A_368 = arith.addi %add3A_366, %add3A_367 : i32
    %dma_start3A_369 = arith.constant 0 : i32
    %dma_start3A_370 = arith.constant 0 : i32
    %dma_start3A_371 = arith.constant 0 : i32
    %dma_start3A_372 = arith.constant 0 : i32
    %dma_start3A_373 = tpu.memref_slice %arg7[%dma_start3A_369, %dma_start3A_371, %dma_start3A_372] : memref<5x32x768xf32, #tpu.memory_space<vmem>> -> memref<1x32x768xf32, #tpu.memory_space<vmem>>
    %dma_start3A_374 = tpu.memref_squeeze %dma_start3A_373 : memref<1x32x768xf32, #tpu.memory_space<vmem>> -> memref<32x768xf32, #tpu.memory_space<vmem>>
    %dma_start3A_375 = arith.constant 0 : i32
    %dma_start3A_376 = tpu.memref_slice %arg5[%add3A_368, %dma_start3A_375] : memref<8192x768xf32, #tpu.memory_space<hbm>> -> memref<32x768xf32, #tpu.memory_space<hbm>>
    %dma_start3A_377 = tpu.memref_slice %arg10[%dma_start3A_370] : memref<5x!tpu.dma_semaphore, #tpu.memory_space<semaphore_mem>> -> memref<1x!tpu.dma_semaphore, #tpu.memory_space<semaphore_mem>>
    %dma_start3A_378 = tpu.memref_squeeze %dma_start3A_377 : memref<1x!tpu.dma_semaphore, #tpu.memory_space<semaphore_mem>> -> memref<!tpu.dma_semaphore, #tpu.memory_space<semaphore_mem>>
    %dma_start3A_379 = arith.constant 0 : i32
    %dma_start3A_380 = tpu.memref_slice %arg5[%add3A_368, %dma_start3A_379] : memref<8192x768xf32, #tpu.memory_space<hbm>> -> memref<32x768xf32, #tpu.memory_space<hbm>>
    %dma_start3A_381 = arith.constant 0 : i32
    %dma_start3A_382 = arith.constant 0 : i32
    %dma_start3A_383 = tpu.memref_slice %arg7[%dma_start3A_369, %dma_start3A_381, %dma_start3A_382] : memref<5x32x768xf32, #tpu.memory_space<vmem>> -> memref<1x32x768xf32, #tpu.memory_space<vmem>>
    %dma_start3A_384 = tpu.memref_squeeze %dma_start3A_383 : memref<1x32x768xf32, #tpu.memory_space<vmem>> -> memref<32x768xf32, #tpu.memory_space<vmem>>
    tpu.enqueue_dma source(%dma_start3A_384 : memref<32x768xf32, #tpu.memory_space<vmem>>) target(%dma_start3A_380 : memref<32x768xf32, #tpu.memory_space<hbm>>) target_semaphore(%dma_start3A_378 : memref<!tpu.dma_semaphore, #tpu.memory_space<semaphore_mem>>)
    %dma_wait3A_385 = arith.constant 0 : i32
    %dma_wait3A_386 = arith.constant 0 : i32
    %dma_wait3A_387 = arith.constant 0 : i32
    %dma_wait3A_388 = arith.constant 0 : i32
    %dma_wait3A_389 = tpu.memref_slice %arg7[%dma_wait3A_385, %dma_wait3A_387, %dma_wait3A_388] : memref<5x32x768xf32, #tpu.memory_space<vmem>> -> memref<1x32x768xf32, #tpu.memory_space<vmem>>
    %dma_wait3A_390 = tpu.memref_squeeze %dma_wait3A_389 : memref<1x32x768xf32, #tpu.memory_space<vmem>> -> memref<32x768xf32, #tpu.memory_space<vmem>>
    %dma_wait3A_391 = arith.constant 0 : i32
    %dma_wait3A_392 = tpu.memref_slice %arg5[%add3A_368, %dma_wait3A_391] : memref<8192x768xf32, #tpu.memory_space<hbm>> -> memref<32x768xf32, #tpu.memory_space<hbm>>
    %dma_wait3A_393 = tpu.memref_slice %arg10[%dma_wait3A_386] : memref<5x!tpu.dma_semaphore, #tpu.memory_space<semaphore_mem>> -> memref<1x!tpu.dma_semaphore, #tpu.memory_space<semaphore_mem>>
    %dma_wait3A_394 = tpu.memref_squeeze %dma_wait3A_393 : memref<1x!tpu.dma_semaphore, #tpu.memory_space<semaphore_mem>> -> memref<!tpu.dma_semaphore, #tpu.memory_space<semaphore_mem>>
    %dma_wait3A_395 = arith.constant 0 : i32
    %dma_wait3A_396 = tpu.memref_slice %arg5[%add3A_368, %dma_wait3A_395] : memref<8192x768xf32, #tpu.memory_space<hbm>> -> memref<32x768xf32, #tpu.memory_space<hbm>>
    %dma_wait3A_397 = arith.constant 0 : i32
    %dma_wait3A_398 = arith.constant 0 : i32
    %dma_wait3A_399 = tpu.memref_slice %arg7[%dma_wait3A_385, %dma_wait3A_397, %dma_wait3A_398] : memref<5x32x768xf32, #tpu.memory_space<vmem>> -> memref<1x32x768xf32, #tpu.memory_space<vmem>>
    %dma_wait3A_400 = tpu.memref_squeeze %dma_wait3A_399 : memref<1x32x768xf32, #tpu.memory_space<vmem>> -> memref<32x768xf32, #tpu.memory_space<vmem>>
    tpu.wait_dma2 semaphore(%dma_wait3A_394 : memref<!tpu.dma_semaphore, #tpu.memory_space<semaphore_mem>>) src(%dma_wait3A_400 : memref<32x768xf32, #tpu.memory_space<vmem>>) dst(%dma_wait3A_396 : memref<32x768xf32, #tpu.memory_space<hbm>>)
    %add3A_401 = arith.constant 32 : i32
    %add3A_402 = arith.addi %mul3A_2, %add3A_401 : i32
    %dma_start3A_403 = arith.constant 0 : i32
    %dma_start3A_404 = arith.constant 0 : i32
    %dma_start3A_405 = arith.constant 0 : i32
    %dma_start3A_406 = arith.constant 0 : i32
    %dma_start3A_407 = tpu.memref_slice %arg7[%dma_start3A_403, %dma_start3A_405, %dma_start3A_406] : memref<5x32x768xf32, #tpu.memory_space<vmem>> -> memref<1x32x768xf32, #tpu.memory_space<vmem>>
    %dma_start3A_408 = tpu.memref_squeeze %dma_start3A_407 : memref<1x32x768xf32, #tpu.memory_space<vmem>> -> memref<32x768xf32, #tpu.memory_space<vmem>>
    %dma_start3A_409 = arith.constant 0 : i32
    %dma_start3A_410 = tpu.memref_slice %arg3[%add3A_402, %dma_start3A_409] : memref<50304x768xf32, #tpu.memory_space<hbm>> -> memref<32x768xf32, #tpu.memory_space<hbm>>
    %dma_start3A_411 = tpu.memref_slice %arg8[%dma_start3A_404] : memref<5x!tpu.dma_semaphore, #tpu.memory_space<semaphore_mem>> -> memref<1x!tpu.dma_semaphore, #tpu.memory_space<semaphore_mem>>
    %dma_start3A_412 = tpu.memref_squeeze %dma_start3A_411 : memref<1x!tpu.dma_semaphore, #tpu.memory_space<semaphore_mem>> -> memref<!tpu.dma_semaphore, #tpu.memory_space<semaphore_mem>>
    %dma_start3A_413 = arith.constant 0 : i32
    %dma_start3A_414 = arith.constant 0 : i32
    %dma_start3A_415 = tpu.memref_slice %arg7[%dma_start3A_403, %dma_start3A_413, %dma_start3A_414] : memref<5x32x768xf32, #tpu.memory_space<vmem>> -> memref<1x32x768xf32, #tpu.memory_space<vmem>>
    %dma_start3A_416 = tpu.memref_squeeze %dma_start3A_415 : memref<1x32x768xf32, #tpu.memory_space<vmem>> -> memref<32x768xf32, #tpu.memory_space<vmem>>
    %dma_start3A_417 = arith.constant 0 : i32
    %dma_start3A_418 = tpu.memref_slice %arg3[%add3A_402, %dma_start3A_417] : memref<50304x768xf32, #tpu.memory_space<hbm>> -> memref<32x768xf32, #tpu.memory_space<hbm>>
    tpu.enqueue_dma source(%dma_start3A_418 : memref<32x768xf32, #tpu.memory_space<hbm>>) target(%dma_start3A_416 : memref<32x768xf32, #tpu.memory_space<vmem>>) target_semaphore(%dma_start3A_412 : memref<!tpu.dma_semaphore, #tpu.memory_space<semaphore_mem>>)
    %dma_wait3A_419 = arith.constant 0 : i32
    %dma_wait3A_420 = arith.constant 0 : i32
    %dma_wait3A_421 = arith.constant 0 : i32
    %dma_wait3A_422 = arith.constant 0 : i32
    %dma_wait3A_423 = tpu.memref_slice %arg7[%dma_wait3A_419, %dma_wait3A_421, %dma_wait3A_422] : memref<5x32x768xf32, #tpu.memory_space<vmem>> -> memref<1x32x768xf32, #tpu.memory_space<vmem>>
    %dma_wait3A_424 = tpu.memref_squeeze %dma_wait3A_423 : memref<1x32x768xf32, #tpu.memory_space<vmem>> -> memref<32x768xf32, #tpu.memory_space<vmem>>
    %dma_wait3A_425 = arith.constant 0 : i32
    %dma_wait3A_426 = tpu.memref_slice %arg3[%add3A_402, %dma_wait3A_425] : memref<50304x768xf32, #tpu.memory_space<hbm>> -> memref<32x768xf32, #tpu.memory_space<hbm>>
    %dma_wait3A_427 = tpu.memref_slice %arg8[%dma_wait3A_420] : memref<5x!tpu.dma_semaphore, #tpu.memory_space<semaphore_mem>> -> memref<1x!tpu.dma_semaphore, #tpu.memory_space<semaphore_mem>>
    %dma_wait3A_428 = tpu.memref_squeeze %dma_wait3A_427 : memref<1x!tpu.dma_semaphore, #tpu.memory_space<semaphore_mem>> -> memref<!tpu.dma_semaphore, #tpu.memory_space<semaphore_mem>>
    %dma_wait3A_429 = arith.constant 0 : i32
    %dma_wait3A_430 = arith.constant 0 : i32
    %dma_wait3A_431 = tpu.memref_slice %arg7[%dma_wait3A_419, %dma_wait3A_429, %dma_wait3A_430] : memref<5x32x768xf32, #tpu.memory_space<vmem>> -> memref<1x32x768xf32, #tpu.memory_space<vmem>>
    %dma_wait3A_432 = tpu.memref_squeeze %dma_wait3A_431 : memref<1x32x768xf32, #tpu.memory_space<vmem>> -> memref<32x768xf32, #tpu.memory_space<vmem>>
    %dma_wait3A_433 = arith.constant 0 : i32
    %dma_wait3A_434 = tpu.memref_slice %arg3[%add3A_402, %dma_wait3A_433] : memref<50304x768xf32, #tpu.memory_space<hbm>> -> memref<32x768xf32, #tpu.memory_space<hbm>>
    tpu.wait_dma2 semaphore(%dma_wait3A_428 : memref<!tpu.dma_semaphore, #tpu.memory_space<semaphore_mem>>) src(%dma_wait3A_434 : memref<32x768xf32, #tpu.memory_space<hbm>>) dst(%dma_wait3A_432 : memref<32x768xf32, #tpu.memory_space<vmem>>)
    %dma_start3A_435 = arith.constant 1 : i32
    %dma_start3A_436 = arith.constant 0 : i32
    %dma_start3A_437 = arith.constant 0 : i32
    %dma_start3A_438 = arith.constant 0 : i32
    %dma_start3A_439 = arith.constant 0 : i32
    %dma_start3A_440 = tpu.memref_slice %arg7[%dma_start3A_436, %dma_start3A_438, %dma_start3A_439] : memref<5x32x768xf32, #tpu.memory_space<vmem>> -> memref<1x32x768xf32, #tpu.memory_space<vmem>>
    %dma_start3A_441 = tpu.memref_squeeze %dma_start3A_440 : memref<1x32x768xf32, #tpu.memory_space<vmem>> -> memref<32x768xf32, #tpu.memory_space<vmem>>
    %dma_start3A_442 = arith.constant 32 : i32
    %dma_start3A_443 = tpu.memref_slice %arg6[%dma_start3A_435, %dma_start3A_442] : memref<4x64xi32, #tpu.memory_space<vmem>> -> memref<1x32xi32, #tpu.memory_space<vmem>>
    %dma_start3A_444 = tpu.memref_squeeze %dma_start3A_443 : memref<1x32xi32, #tpu.memory_space<vmem>> -> memref<32xi32, #tpu.memory_space<vmem>>
    %dma_start3A_445 = arith.constant 0 : i32
    %dma_start3A_446 = arith.constant 0 : i32
    %dma_start3A_447 = tpu.memref_slice %arg4[%dma_start3A_445, %dma_start3A_446] : memref<2048x768xf32, #tpu.memory_space<hbm>> -> memref<2048x768xf32, #tpu.memory_space<hbm>>
    %dma_start3A_448 = tpu.memref_slice %arg9[%dma_start3A_437] : memref<5x!tpu.dma_semaphore, #tpu.memory_space<semaphore_mem>> -> memref<1x!tpu.dma_semaphore, #tpu.memory_space<semaphore_mem>>
    %dma_start3A_449 = tpu.memref_squeeze %dma_start3A_448 : memref<1x!tpu.dma_semaphore, #tpu.memory_space<semaphore_mem>> -> memref<!tpu.dma_semaphore, #tpu.memory_space<semaphore_mem>>
    tpu.enqueue_indirect_dma source(%dma_start3A_447 : memref<2048x768xf32, #tpu.memory_space<hbm>>) target(%dma_start3A_441 : memref<32x768xf32, #tpu.memory_space<vmem>>) offsets(%dma_start3A_444 : memref<32xi32, #tpu.memory_space<vmem>>) semaphore(%dma_start3A_449 : memref<!tpu.dma_semaphore, #tpu.memory_space<semaphore_mem>>) {add = true}
    %dma_wait3A_450 = arith.constant 1 : i32
    %dma_wait3A_451 = arith.constant 1 : i32
    %dma_wait3A_452 = arith.constant 1 : i32
    %dma_wait3A_453 = arith.constant 0 : i32
    %dma_wait3A_454 = arith.constant 0 : i32
    %dma_wait3A_455 = tpu.memref_slice %arg7[%dma_wait3A_451, %dma_wait3A_453, %dma_wait3A_454] : memref<5x32x768xf32, #tpu.memory_space<vmem>> -> memref<1x32x768xf32, #tpu.memory_space<vmem>>
    %dma_wait3A_456 = tpu.memref_squeeze %dma_wait3A_455 : memref<1x32x768xf32, #tpu.memory_space<vmem>> -> memref<32x768xf32, #tpu.memory_space<vmem>>
    %dma_wait3A_457 = arith.constant 0 : i32
    %dma_wait3A_458 = tpu.memref_slice %arg6[%dma_wait3A_450, %dma_wait3A_457] : memref<4x64xi32, #tpu.memory_space<vmem>> -> memref<1x32xi32, #tpu.memory_space<vmem>>
    %dma_wait3A_459 = tpu.memref_squeeze %dma_wait3A_458 : memref<1x32xi32, #tpu.memory_space<vmem>> -> memref<32xi32, #tpu.memory_space<vmem>>
    %dma_wait3A_460 = arith.constant 0 : i32
    %dma_wait3A_461 = arith.constant 0 : i32
    %dma_wait3A_462 = tpu.memref_slice %arg4[%dma_wait3A_460, %dma_wait3A_461] : memref<2048x768xf32, #tpu.memory_space<hbm>> -> memref<2048x768xf32, #tpu.memory_space<hbm>>
    %dma_wait3A_463 = tpu.memref_slice %arg9[%dma_wait3A_452] : memref<5x!tpu.dma_semaphore, #tpu.memory_space<semaphore_mem>> -> memref<1x!tpu.dma_semaphore, #tpu.memory_space<semaphore_mem>>
    %dma_wait3A_464 = tpu.memref_squeeze %dma_wait3A_463 : memref<1x!tpu.dma_semaphore, #tpu.memory_space<semaphore_mem>> -> memref<!tpu.dma_semaphore, #tpu.memory_space<semaphore_mem>>
    tpu.wait_indirect_dma semaphore(%dma_wait3A_464 : memref<!tpu.dma_semaphore, #tpu.memory_space<semaphore_mem>>) src(%dma_wait3A_462 : memref<2048x768xf32, #tpu.memory_space<hbm>>) dst(%dma_wait3A_456 : memref<32x768xf32, #tpu.memory_space<vmem>>)
    %add3A_465 = arith.constant 2048 : i32
    %add3A_466 = arith.addi %add3A_465, %mul3A_2 : i32
    %add3A_467 = arith.constant 0 : i32
    %add3A_468 = arith.addi %add3A_466, %add3A_467 : i32
    %dma_start3A_469 = arith.constant 1 : i32
    %dma_start3A_470 = arith.constant 1 : i32
    %dma_start3A_471 = arith.constant 0 : i32
    %dma_start3A_472 = arith.constant 0 : i32
    %dma_start3A_473 = tpu.memref_slice %arg7[%dma_start3A_469, %dma_start3A_471, %dma_start3A_472] : memref<5x32x768xf32, #tpu.memory_space<vmem>> -> memref<1x32x768xf32, #tpu.memory_space<vmem>>
    %dma_start3A_474 = tpu.memref_squeeze %dma_start3A_473 : memref<1x32x768xf32, #tpu.memory_space<vmem>> -> memref<32x768xf32, #tpu.memory_space<vmem>>
    %dma_start3A_475 = arith.constant 0 : i32
    %dma_start3A_476 = tpu.memref_slice %arg5[%add3A_468, %dma_start3A_475] : memref<8192x768xf32, #tpu.memory_space<hbm>> -> memref<32x768xf32, #tpu.memory_space<hbm>>
    %dma_start3A_477 = tpu.memref_slice %arg10[%dma_start3A_470] : memref<5x!tpu.dma_semaphore, #tpu.memory_space<semaphore_mem>> -> memref<1x!tpu.dma_semaphore, #tpu.memory_space<semaphore_mem>>
    %dma_start3A_478 = tpu.memref_squeeze %dma_start3A_477 : memref<1x!tpu.dma_semaphore, #tpu.memory_space<semaphore_mem>> -> memref<!tpu.dma_semaphore, #tpu.memory_space<semaphore_mem>>
    %dma_start3A_479 = arith.constant 0 : i32
    %dma_start3A_480 = tpu.memref_slice %arg5[%add3A_468, %dma_start3A_479] : memref<8192x768xf32, #tpu.memory_space<hbm>> -> memref<32x768xf32, #tpu.memory_space<hbm>>
    %dma_start3A_481 = arith.constant 0 : i32
    %dma_start3A_482 = arith.constant 0 : i32
    %dma_start3A_483 = tpu.memref_slice %arg7[%dma_start3A_469, %dma_start3A_481, %dma_start3A_482] : memref<5x32x768xf32, #tpu.memory_space<vmem>> -> memref<1x32x768xf32, #tpu.memory_space<vmem>>
    %dma_start3A_484 = tpu.memref_squeeze %dma_start3A_483 : memref<1x32x768xf32, #tpu.memory_space<vmem>> -> memref<32x768xf32, #tpu.memory_space<vmem>>
    tpu.enqueue_dma source(%dma_start3A_484 : memref<32x768xf32, #tpu.memory_space<vmem>>) target(%dma_start3A_480 : memref<32x768xf32, #tpu.memory_space<hbm>>) target_semaphore(%dma_start3A_478 : memref<!tpu.dma_semaphore, #tpu.memory_space<semaphore_mem>>)
    %dma_wait3A_485 = arith.constant 1 : i32
    %dma_wait3A_486 = arith.constant 1 : i32
    %dma_wait3A_487 = arith.constant 0 : i32
    %dma_wait3A_488 = arith.constant 0 : i32
    %dma_wait3A_489 = tpu.memref_slice %arg7[%dma_wait3A_485, %dma_wait3A_487, %dma_wait3A_488] : memref<5x32x768xf32, #tpu.memory_space<vmem>> -> memref<1x32x768xf32, #tpu.memory_space<vmem>>
    %dma_wait3A_490 = tpu.memref_squeeze %dma_wait3A_489 : memref<1x32x768xf32, #tpu.memory_space<vmem>> -> memref<32x768xf32, #tpu.memory_space<vmem>>
    %dma_wait3A_491 = arith.constant 0 : i32
    %dma_wait3A_492 = tpu.memref_slice %arg5[%add3A_468, %dma_wait3A_491] : memref<8192x768xf32, #tpu.memory_space<hbm>> -> memref<32x768xf32, #tpu.memory_space<hbm>>
    %dma_wait3A_493 = tpu.memref_slice %arg10[%dma_wait3A_486] : memref<5x!tpu.dma_semaphore, #tpu.memory_space<semaphore_mem>> -> memref<1x!tpu.dma_semaphore, #tpu.memory_space<semaphore_mem>>
    %dma_wait3A_494 = tpu.memref_squeeze %dma_wait3A_493 : memref<1x!tpu.dma_semaphore, #tpu.memory_space<semaphore_mem>> -> memref<!tpu.dma_semaphore, #tpu.memory_space<semaphore_mem>>
    %dma_wait3A_495 = arith.constant 0 : i32
    %dma_wait3A_496 = tpu.memref_slice %arg5[%add3A_468, %dma_wait3A_495] : memref<8192x768xf32, #tpu.memory_space<hbm>> -> memref<32x768xf32, #tpu.memory_space<hbm>>
    %dma_wait3A_497 = arith.constant 0 : i32
    %dma_wait3A_498 = arith.constant 0 : i32
    %dma_wait3A_499 = tpu.memref_slice %arg7[%dma_wait3A_485, %dma_wait3A_497, %dma_wait3A_498] : memref<5x32x768xf32, #tpu.memory_space<vmem>> -> memref<1x32x768xf32, #tpu.memory_space<vmem>>
    %dma_wait3A_500 = tpu.memref_squeeze %dma_wait3A_499 : memref<1x32x768xf32, #tpu.memory_space<vmem>> -> memref<32x768xf32, #tpu.memory_space<vmem>>
    tpu.wait_dma2 semaphore(%dma_wait3A_494 : memref<!tpu.dma_semaphore, #tpu.memory_space<semaphore_mem>>) src(%dma_wait3A_500 : memref<32x768xf32, #tpu.memory_space<vmem>>) dst(%dma_wait3A_496 : memref<32x768xf32, #tpu.memory_space<hbm>>)
    %add3A_501 = arith.constant 32 : i32
    %add3A_502 = arith.addi %mul3A_2, %add3A_501 : i32
    %dma_start3A_503 = arith.constant 1 : i32
    %dma_start3A_504 = arith.constant 1 : i32
    %dma_start3A_505 = arith.constant 0 : i32
    %dma_start3A_506 = arith.constant 0 : i32
    %dma_start3A_507 = tpu.memref_slice %arg7[%dma_start3A_503, %dma_start3A_505, %dma_start3A_506] : memref<5x32x768xf32, #tpu.memory_space<vmem>> -> memref<1x32x768xf32, #tpu.memory_space<vmem>>
    %dma_start3A_508 = tpu.memref_squeeze %dma_start3A_507 : memref<1x32x768xf32, #tpu.memory_space<vmem>> -> memref<32x768xf32, #tpu.memory_space<vmem>>
    %dma_start3A_509 = arith.constant 0 : i32
    %dma_start3A_510 = tpu.memref_slice %arg3[%add3A_502, %dma_start3A_509] : memref<50304x768xf32, #tpu.memory_space<hbm>> -> memref<32x768xf32, #tpu.memory_space<hbm>>
    %dma_start3A_511 = tpu.memref_slice %arg8[%dma_start3A_504] : memref<5x!tpu.dma_semaphore, #tpu.memory_space<semaphore_mem>> -> memref<1x!tpu.dma_semaphore, #tpu.memory_space<semaphore_mem>>
    %dma_start3A_512 = tpu.memref_squeeze %dma_start3A_511 : memref<1x!tpu.dma_semaphore, #tpu.memory_space<semaphore_mem>> -> memref<!tpu.dma_semaphore, #tpu.memory_space<semaphore_mem>>
    %dma_start3A_513 = arith.constant 0 : i32
    %dma_start3A_514 = arith.constant 0 : i32
    %dma_start3A_515 = tpu.memref_slice %arg7[%dma_start3A_503, %dma_start3A_513, %dma_start3A_514] : memref<5x32x768xf32, #tpu.memory_space<vmem>> -> memref<1x32x768xf32, #tpu.memory_space<vmem>>
    %dma_start3A_516 = tpu.memref_squeeze %dma_start3A_515 : memref<1x32x768xf32, #tpu.memory_space<vmem>> -> memref<32x768xf32, #tpu.memory_space<vmem>>
    %dma_start3A_517 = arith.constant 0 : i32
    %dma_start3A_518 = tpu.memref_slice %arg3[%add3A_502, %dma_start3A_517] : memref<50304x768xf32, #tpu.memory_space<hbm>> -> memref<32x768xf32, #tpu.memory_space<hbm>>
    tpu.enqueue_dma source(%dma_start3A_518 : memref<32x768xf32, #tpu.memory_space<hbm>>) target(%dma_start3A_516 : memref<32x768xf32, #tpu.memory_space<vmem>>) target_semaphore(%dma_start3A_512 : memref<!tpu.dma_semaphore, #tpu.memory_space<semaphore_mem>>)
    %dma_wait3A_519 = arith.constant 1 : i32
    %dma_wait3A_520 = arith.constant 1 : i32
    %dma_wait3A_521 = arith.constant 0 : i32
    %dma_wait3A_522 = arith.constant 0 : i32
    %dma_wait3A_523 = tpu.memref_slice %arg7[%dma_wait3A_519, %dma_wait3A_521, %dma_wait3A_522] : memref<5x32x768xf32, #tpu.memory_space<vmem>> -> memref<1x32x768xf32, #tpu.memory_space<vmem>>
    %dma_wait3A_524 = tpu.memref_squeeze %dma_wait3A_523 : memref<1x32x768xf32, #tpu.memory_space<vmem>> -> memref<32x768xf32, #tpu.memory_space<vmem>>
    %dma_wait3A_525 = arith.constant 0 : i32
    %dma_wait3A_526 = tpu.memref_slice %arg3[%add3A_502, %dma_wait3A_525] : memref<50304x768xf32, #tpu.memory_space<hbm>> -> memref<32x768xf32, #tpu.memory_space<hbm>>
    %dma_wait3A_527 = tpu.memref_slice %arg8[%dma_wait3A_520] : memref<5x!tpu.dma_semaphore, #tpu.memory_space<semaphore_mem>> -> memref<1x!tpu.dma_semaphore, #tpu.memory_space<semaphore_mem>>
    %dma_wait3A_528 = tpu.memref_squeeze %dma_wait3A_527 : memref<1x!tpu.dma_semaphore, #tpu.memory_space<semaphore_mem>> -> memref<!tpu.dma_semaphore, #tpu.memory_space<semaphore_mem>>
    %dma_wait3A_529 = arith.constant 0 : i32
    %dma_wait3A_530 = arith.constant 0 : i32
    %dma_wait3A_531 = tpu.memref_slice %arg7[%dma_wait3A_519, %dma_wait3A_529, %dma_wait3A_530] : memref<5x32x768xf32, #tpu.memory_space<vmem>> -> memref<1x32x768xf32, #tpu.memory_space<vmem>>
    %dma_wait3A_532 = tpu.memref_squeeze %dma_wait3A_531 : memref<1x32x768xf32, #tpu.memory_space<vmem>> -> memref<32x768xf32, #tpu.memory_space<vmem>>
    %dma_wait3A_533 = arith.constant 0 : i32
    %dma_wait3A_534 = tpu.memref_slice %arg3[%add3A_502, %dma_wait3A_533] : memref<50304x768xf32, #tpu.memory_space<hbm>> -> memref<32x768xf32, #tpu.memory_space<hbm>>
    tpu.wait_dma2 semaphore(%dma_wait3A_528 : memref<!tpu.dma_semaphore, #tpu.memory_space<semaphore_mem>>) src(%dma_wait3A_534 : memref<32x768xf32, #tpu.memory_space<hbm>>) dst(%dma_wait3A_532 : memref<32x768xf32, #tpu.memory_space<vmem>>)
    %dma_start3A_535 = arith.constant 2 : i32
    %dma_start3A_536 = arith.constant 1 : i32
    %dma_start3A_537 = arith.constant 1 : i32
    %dma_start3A_538 = arith.constant 0 : i32
    %dma_start3A_539 = arith.constant 0 : i32
    %dma_start3A_540 = tpu.memref_slice %arg7[%dma_start3A_536, %dma_start3A_538, %dma_start3A_539] : memref<5x32x768xf32, #tpu.memory_space<vmem>> -> memref<1x32x768xf32, #tpu.memory_space<vmem>>
    %dma_start3A_541 = tpu.memref_squeeze %dma_start3A_540 : memref<1x32x768xf32, #tpu.memory_space<vmem>> -> memref<32x768xf32, #tpu.memory_space<vmem>>
    %dma_start3A_542 = arith.constant 32 : i32
    %dma_start3A_543 = tpu.memref_slice %arg6[%dma_start3A_535, %dma_start3A_542] : memref<4x64xi32, #tpu.memory_space<vmem>> -> memref<1x32xi32, #tpu.memory_space<vmem>>
    %dma_start3A_544 = tpu.memref_squeeze %dma_start3A_543 : memref<1x32xi32, #tpu.memory_space<vmem>> -> memref<32xi32, #tpu.memory_space<vmem>>
    %dma_start3A_545 = arith.constant 0 : i32
    %dma_start3A_546 = arith.constant 0 : i32
    %dma_start3A_547 = tpu.memref_slice %arg4[%dma_start3A_545, %dma_start3A_546] : memref<2048x768xf32, #tpu.memory_space<hbm>> -> memref<2048x768xf32, #tpu.memory_space<hbm>>
    %dma_start3A_548 = tpu.memref_slice %arg9[%dma_start3A_537] : memref<5x!tpu.dma_semaphore, #tpu.memory_space<semaphore_mem>> -> memref<1x!tpu.dma_semaphore, #tpu.memory_space<semaphore_mem>>
    %dma_start3A_549 = tpu.memref_squeeze %dma_start3A_548 : memref<1x!tpu.dma_semaphore, #tpu.memory_space<semaphore_mem>> -> memref<!tpu.dma_semaphore, #tpu.memory_space<semaphore_mem>>
    tpu.enqueue_indirect_dma source(%dma_start3A_547 : memref<2048x768xf32, #tpu.memory_space<hbm>>) target(%dma_start3A_541 : memref<32x768xf32, #tpu.memory_space<vmem>>) offsets(%dma_start3A_544 : memref<32xi32, #tpu.memory_space<vmem>>) semaphore(%dma_start3A_549 : memref<!tpu.dma_semaphore, #tpu.memory_space<semaphore_mem>>) {add = true}
    %dma_wait3A_550 = arith.constant 2 : i32
    %dma_wait3A_551 = arith.constant 2 : i32
    %dma_wait3A_552 = arith.constant 2 : i32
    %dma_wait3A_553 = arith.constant 0 : i32
    %dma_wait3A_554 = arith.constant 0 : i32
    %dma_wait3A_555 = tpu.memref_slice %arg7[%dma_wait3A_551, %dma_wait3A_553, %dma_wait3A_554] : memref<5x32x768xf32, #tpu.memory_space<vmem>> -> memref<1x32x768xf32, #tpu.memory_space<vmem>>
    %dma_wait3A_556 = tpu.memref_squeeze %dma_wait3A_555 : memref<1x32x768xf32, #tpu.memory_space<vmem>> -> memref<32x768xf32, #tpu.memory_space<vmem>>
    %dma_wait3A_557 = arith.constant 0 : i32
    %dma_wait3A_558 = tpu.memref_slice %arg6[%dma_wait3A_550, %dma_wait3A_557] : memref<4x64xi32, #tpu.memory_space<vmem>> -> memref<1x32xi32, #tpu.memory_space<vmem>>
    %dma_wait3A_559 = tpu.memref_squeeze %dma_wait3A_558 : memref<1x32xi32, #tpu.memory_space<vmem>> -> memref<32xi32, #tpu.memory_space<vmem>>
    %dma_wait3A_560 = arith.constant 0 : i32
    %dma_wait3A_561 = arith.constant 0 : i32
    %dma_wait3A_562 = tpu.memref_slice %arg4[%dma_wait3A_560, %dma_wait3A_561] : memref<2048x768xf32, #tpu.memory_space<hbm>> -> memref<2048x768xf32, #tpu.memory_space<hbm>>
    %dma_wait3A_563 = tpu.memref_slice %arg9[%dma_wait3A_552] : memref<5x!tpu.dma_semaphore, #tpu.memory_space<semaphore_mem>> -> memref<1x!tpu.dma_semaphore, #tpu.memory_space<semaphore_mem>>
    %dma_wait3A_564 = tpu.memref_squeeze %dma_wait3A_563 : memref<1x!tpu.dma_semaphore, #tpu.memory_space<semaphore_mem>> -> memref<!tpu.dma_semaphore, #tpu.memory_space<semaphore_mem>>
    tpu.wait_indirect_dma semaphore(%dma_wait3A_564 : memref<!tpu.dma_semaphore, #tpu.memory_space<semaphore_mem>>) src(%dma_wait3A_562 : memref<2048x768xf32, #tpu.memory_space<hbm>>) dst(%dma_wait3A_556 : memref<32x768xf32, #tpu.memory_space<vmem>>)
    %add3A_565 = arith.constant 4096 : i32
    %add3A_566 = arith.addi %add3A_565, %mul3A_2 : i32
    %add3A_567 = arith.constant 0 : i32
    %add3A_568 = arith.addi %add3A_566, %add3A_567 : i32
    %dma_start3A_569 = arith.constant 2 : i32
    %dma_start3A_570 = arith.constant 2 : i32
    %dma_start3A_571 = arith.constant 0 : i32
    %dma_start3A_572 = arith.constant 0 : i32
    %dma_start3A_573 = tpu.memref_slice %arg7[%dma_start3A_569, %dma_start3A_571, %dma_start3A_572] : memref<5x32x768xf32, #tpu.memory_space<vmem>> -> memref<1x32x768xf32, #tpu.memory_space<vmem>>
    %dma_start3A_574 = tpu.memref_squeeze %dma_start3A_573 : memref<1x32x768xf32, #tpu.memory_space<vmem>> -> memref<32x768xf32, #tpu.memory_space<vmem>>
    %dma_start3A_575 = arith.constant 0 : i32
    %dma_start3A_576 = tpu.memref_slice %arg5[%add3A_568, %dma_start3A_575] : memref<8192x768xf32, #tpu.memory_space<hbm>> -> memref<32x768xf32, #tpu.memory_space<hbm>>
    %dma_start3A_577 = tpu.memref_slice %arg10[%dma_start3A_570] : memref<5x!tpu.dma_semaphore, #tpu.memory_space<semaphore_mem>> -> memref<1x!tpu.dma_semaphore, #tpu.memory_space<semaphore_mem>>
    %dma_start3A_578 = tpu.memref_squeeze %dma_start3A_577 : memref<1x!tpu.dma_semaphore, #tpu.memory_space<semaphore_mem>> -> memref<!tpu.dma_semaphore, #tpu.memory_space<semaphore_mem>>
    %dma_start3A_579 = arith.constant 0 : i32
    %dma_start3A_580 = tpu.memref_slice %arg5[%add3A_568, %dma_start3A_579] : memref<8192x768xf32, #tpu.memory_space<hbm>> -> memref<32x768xf32, #tpu.memory_space<hbm>>
    %dma_start3A_581 = arith.constant 0 : i32
    %dma_start3A_582 = arith.constant 0 : i32
    %dma_start3A_583 = tpu.memref_slice %arg7[%dma_start3A_569, %dma_start3A_581, %dma_start3A_582] : memref<5x32x768xf32, #tpu.memory_space<vmem>> -> memref<1x32x768xf32, #tpu.memory_space<vmem>>
    %dma_start3A_584 = tpu.memref_squeeze %dma_start3A_583 : memref<1x32x768xf32, #tpu.memory_space<vmem>> -> memref<32x768xf32, #tpu.memory_space<vmem>>
    tpu.enqueue_dma source(%dma_start3A_584 : memref<32x768xf32, #tpu.memory_space<vmem>>) target(%dma_start3A_580 : memref<32x768xf32, #tpu.memory_space<hbm>>) target_semaphore(%dma_start3A_578 : memref<!tpu.dma_semaphore, #tpu.memory_space<semaphore_mem>>)
    %dma_wait3A_585 = arith.constant 2 : i32
    %dma_wait3A_586 = arith.constant 2 : i32
    %dma_wait3A_587 = arith.constant 0 : i32
    %dma_wait3A_588 = arith.constant 0 : i32
    %dma_wait3A_589 = tpu.memref_slice %arg7[%dma_wait3A_585, %dma_wait3A_587, %dma_wait3A_588] : memref<5x32x768xf32, #tpu.memory_space<vmem>> -> memref<1x32x768xf32, #tpu.memory_space<vmem>>
    %dma_wait3A_590 = tpu.memref_squeeze %dma_wait3A_589 : memref<1x32x768xf32, #tpu.memory_space<vmem>> -> memref<32x768xf32, #tpu.memory_space<vmem>>
    %dma_wait3A_591 = arith.constant 0 : i32
    %dma_wait3A_592 = tpu.memref_slice %arg5[%add3A_568, %dma_wait3A_591] : memref<8192x768xf32, #tpu.memory_space<hbm>> -> memref<32x768xf32, #tpu.memory_space<hbm>>
    %dma_wait3A_593 = tpu.memref_slice %arg10[%dma_wait3A_586] : memref<5x!tpu.dma_semaphore, #tpu.memory_space<semaphore_mem>> -> memref<1x!tpu.dma_semaphore, #tpu.memory_space<semaphore_mem>>
    %dma_wait3A_594 = tpu.memref_squeeze %dma_wait3A_593 : memref<1x!tpu.dma_semaphore, #tpu.memory_space<semaphore_mem>> -> memref<!tpu.dma_semaphore, #tpu.memory_space<semaphore_mem>>
    %dma_wait3A_595 = arith.constant 0 : i32
    %dma_wait3A_596 = tpu.memref_slice %arg5[%add3A_568, %dma_wait3A_595] : memref<8192x768xf32, #tpu.memory_space<hbm>> -> memref<32x768xf32, #tpu.memory_space<hbm>>
    %dma_wait3A_597 = arith.constant 0 : i32
    %dma_wait3A_598 = arith.constant 0 : i32
    %dma_wait3A_599 = tpu.memref_slice %arg7[%dma_wait3A_585, %dma_wait3A_597, %dma_wait3A_598] : memref<5x32x768xf32, #tpu.memory_space<vmem>> -> memref<1x32x768xf32, #tpu.memory_space<vmem>>
    %dma_wait3A_600 = tpu.memref_squeeze %dma_wait3A_599 : memref<1x32x768xf32, #tpu.memory_space<vmem>> -> memref<32x768xf32, #tpu.memory_space<vmem>>
    tpu.wait_dma2 semaphore(%dma_wait3A_594 : memref<!tpu.dma_semaphore, #tpu.memory_space<semaphore_mem>>) src(%dma_wait3A_600 : memref<32x768xf32, #tpu.memory_space<vmem>>) dst(%dma_wait3A_596 : memref<32x768xf32, #tpu.memory_space<hbm>>)
    %add3A_601 = arith.constant 32 : i32
    %add3A_602 = arith.addi %mul3A_2, %add3A_601 : i32
    %dma_start3A_603 = arith.constant 2 : i32
    %dma_start3A_604 = arith.constant 2 : i32
    %dma_start3A_605 = arith.constant 0 : i32
    %dma_start3A_606 = arith.constant 0 : i32
    %dma_start3A_607 = tpu.memref_slice %arg7[%dma_start3A_603, %dma_start3A_605, %dma_start3A_606] : memref<5x32x768xf32, #tpu.memory_space<vmem>> -> memref<1x32x768xf32, #tpu.memory_space<vmem>>
    %dma_start3A_608 = tpu.memref_squeeze %dma_start3A_607 : memref<1x32x768xf32, #tpu.memory_space<vmem>> -> memref<32x768xf32, #tpu.memory_space<vmem>>
    %dma_start3A_609 = arith.constant 0 : i32
    %dma_start3A_610 = tpu.memref_slice %arg3[%add3A_602, %dma_start3A_609] : memref<50304x768xf32, #tpu.memory_space<hbm>> -> memref<32x768xf32, #tpu.memory_space<hbm>>
    %dma_start3A_611 = tpu.memref_slice %arg8[%dma_start3A_604] : memref<5x!tpu.dma_semaphore, #tpu.memory_space<semaphore_mem>> -> memref<1x!tpu.dma_semaphore, #tpu.memory_space<semaphore_mem>>
    %dma_start3A_612 = tpu.memref_squeeze %dma_start3A_611 : memref<1x!tpu.dma_semaphore, #tpu.memory_space<semaphore_mem>> -> memref<!tpu.dma_semaphore, #tpu.memory_space<semaphore_mem>>
    %dma_start3A_613 = arith.constant 0 : i32
    %dma_start3A_614 = arith.constant 0 : i32
    %dma_start3A_615 = tpu.memref_slice %arg7[%dma_start3A_603, %dma_start3A_613, %dma_start3A_614] : memref<5x32x768xf32, #tpu.memory_space<vmem>> -> memref<1x32x768xf32, #tpu.memory_space<vmem>>
    %dma_start3A_616 = tpu.memref_squeeze %dma_start3A_615 : memref<1x32x768xf32, #tpu.memory_space<vmem>> -> memref<32x768xf32, #tpu.memory_space<vmem>>
    %dma_start3A_617 = arith.constant 0 : i32
    %dma_start3A_618 = tpu.memref_slice %arg3[%add3A_602, %dma_start3A_617] : memref<50304x768xf32, #tpu.memory_space<hbm>> -> memref<32x768xf32, #tpu.memory_space<hbm>>
    tpu.enqueue_dma source(%dma_start3A_618 : memref<32x768xf32, #tpu.memory_space<hbm>>) target(%dma_start3A_616 : memref<32x768xf32, #tpu.memory_space<vmem>>) target_semaphore(%dma_start3A_612 : memref<!tpu.dma_semaphore, #tpu.memory_space<semaphore_mem>>)
    %dma_wait3A_619 = arith.constant 2 : i32
    %dma_wait3A_620 = arith.constant 2 : i32
    %dma_wait3A_621 = arith.constant 0 : i32
    %dma_wait3A_622 = arith.constant 0 : i32
    %dma_wait3A_623 = tpu.memref_slice %arg7[%dma_wait3A_619, %dma_wait3A_621, %dma_wait3A_622] : memref<5x32x768xf32, #tpu.memory_space<vmem>> -> memref<1x32x768xf32, #tpu.memory_space<vmem>>
    %dma_wait3A_624 = tpu.memref_squeeze %dma_wait3A_623 : memref<1x32x768xf32, #tpu.memory_space<vmem>> -> memref<32x768xf32, #tpu.memory_space<vmem>>
    %dma_wait3A_625 = arith.constant 0 : i32
    %dma_wait3A_626 = tpu.memref_slice %arg3[%add3A_602, %dma_wait3A_625] : memref<50304x768xf32, #tpu.memory_space<hbm>> -> memref<32x768xf32, #tpu.memory_space<hbm>>
    %dma_wait3A_627 = tpu.memref_slice %arg8[%dma_wait3A_620] : memref<5x!tpu.dma_semaphore, #tpu.memory_space<semaphore_mem>> -> memref<1x!tpu.dma_semaphore, #tpu.memory_space<semaphore_mem>>
    %dma_wait3A_628 = tpu.memref_squeeze %dma_wait3A_627 : memref<1x!tpu.dma_semaphore, #tpu.memory_space<semaphore_mem>> -> memref<!tpu.dma_semaphore, #tpu.memory_space<semaphore_mem>>
    %dma_wait3A_629 = arith.constant 0 : i32
    %dma_wait3A_630 = arith.constant 0 : i32
    %dma_wait3A_631 = tpu.memref_slice %arg7[%dma_wait3A_619, %dma_wait3A_629, %dma_wait3A_630] : memref<5x32x768xf32, #tpu.memory_space<vmem>> -> memref<1x32x768xf32, #tpu.memory_space<vmem>>
    %dma_wait3A_632 = tpu.memref_squeeze %dma_wait3A_631 : memref<1x32x768xf32, #tpu.memory_space<vmem>> -> memref<32x768xf32, #tpu.memory_space<vmem>>
    %dma_wait3A_633 = arith.constant 0 : i32
    %dma_wait3A_634 = tpu.memref_slice %arg3[%add3A_602, %dma_wait3A_633] : memref<50304x768xf32, #tpu.memory_space<hbm>> -> memref<32x768xf32, #tpu.memory_space<hbm>>
    tpu.wait_dma2 semaphore(%dma_wait3A_628 : memref<!tpu.dma_semaphore, #tpu.memory_space<semaphore_mem>>) src(%dma_wait3A_634 : memref<32x768xf32, #tpu.memory_space<hbm>>) dst(%dma_wait3A_632 : memref<32x768xf32, #tpu.memory_space<vmem>>)
    %dma_start3A_635 = arith.constant 3 : i32
    %dma_start3A_636 = arith.constant 2 : i32
    %dma_start3A_637 = arith.constant 2 : i32
    %dma_start3A_638 = arith.constant 0 : i32
    %dma_start3A_639 = arith.constant 0 : i32
    %dma_start3A_640 = tpu.memref_slice %arg7[%dma_start3A_636, %dma_start3A_638, %dma_start3A_639] : memref<5x32x768xf32, #tpu.memory_space<vmem>> -> memref<1x32x768xf32, #tpu.memory_space<vmem>>
    %dma_start3A_641 = tpu.memref_squeeze %dma_start3A_640 : memref<1x32x768xf32, #tpu.memory_space<vmem>> -> memref<32x768xf32, #tpu.memory_space<vmem>>
    %dma_start3A_642 = arith.constant 32 : i32
    %dma_start3A_643 = tpu.memref_slice %arg6[%dma_start3A_635, %dma_start3A_642] : memref<4x64xi32, #tpu.memory_space<vmem>> -> memref<1x32xi32, #tpu.memory_space<vmem>>
    %dma_start3A_644 = tpu.memref_squeeze %dma_start3A_643 : memref<1x32xi32, #tpu.memory_space<vmem>> -> memref<32xi32, #tpu.memory_space<vmem>>
    %dma_start3A_645 = arith.constant 0 : i32
    %dma_start3A_646 = arith.constant 0 : i32
    %dma_start3A_647 = tpu.memref_slice %arg4[%dma_start3A_645, %dma_start3A_646] : memref<2048x768xf32, #tpu.memory_space<hbm>> -> memref<2048x768xf32, #tpu.memory_space<hbm>>
    %dma_start3A_648 = tpu.memref_slice %arg9[%dma_start3A_637] : memref<5x!tpu.dma_semaphore, #tpu.memory_space<semaphore_mem>> -> memref<1x!tpu.dma_semaphore, #tpu.memory_space<semaphore_mem>>
    %dma_start3A_649 = tpu.memref_squeeze %dma_start3A_648 : memref<1x!tpu.dma_semaphore, #tpu.memory_space<semaphore_mem>> -> memref<!tpu.dma_semaphore, #tpu.memory_space<semaphore_mem>>
    tpu.enqueue_indirect_dma source(%dma_start3A_647 : memref<2048x768xf32, #tpu.memory_space<hbm>>) target(%dma_start3A_641 : memref<32x768xf32, #tpu.memory_space<vmem>>) offsets(%dma_start3A_644 : memref<32xi32, #tpu.memory_space<vmem>>) semaphore(%dma_start3A_649 : memref<!tpu.dma_semaphore, #tpu.memory_space<semaphore_mem>>) {add = true}
    %dma_wait3A_650 = arith.constant 3 : i32
    %dma_wait3A_651 = arith.constant 3 : i32
    %dma_wait3A_652 = arith.constant 3 : i32
    %dma_wait3A_653 = arith.constant 0 : i32
    %dma_wait3A_654 = arith.constant 0 : i32
    %dma_wait3A_655 = tpu.memref_slice %arg7[%dma_wait3A_651, %dma_wait3A_653, %dma_wait3A_654] : memref<5x32x768xf32, #tpu.memory_space<vmem>> -> memref<1x32x768xf32, #tpu.memory_space<vmem>>
    %dma_wait3A_656 = tpu.memref_squeeze %dma_wait3A_655 : memref<1x32x768xf32, #tpu.memory_space<vmem>> -> memref<32x768xf32, #tpu.memory_space<vmem>>
    %dma_wait3A_657 = arith.constant 0 : i32
    %dma_wait3A_658 = tpu.memref_slice %arg6[%dma_wait3A_650, %dma_wait3A_657] : memref<4x64xi32, #tpu.memory_space<vmem>> -> memref<1x32xi32, #tpu.memory_space<vmem>>
    %dma_wait3A_659 = tpu.memref_squeeze %dma_wait3A_658 : memref<1x32xi32, #tpu.memory_space<vmem>> -> memref<32xi32, #tpu.memory_space<vmem>>
    %dma_wait3A_660 = arith.constant 0 : i32
    %dma_wait3A_661 = arith.constant 0 : i32
    %dma_wait3A_662 = tpu.memref_slice %arg4[%dma_wait3A_660, %dma_wait3A_661] : memref<2048x768xf32, #tpu.memory_space<hbm>> -> memref<2048x768xf32, #tpu.memory_space<hbm>>
    %dma_wait3A_663 = tpu.memref_slice %arg9[%dma_wait3A_652] : memref<5x!tpu.dma_semaphore, #tpu.memory_space<semaphore_mem>> -> memref<1x!tpu.dma_semaphore, #tpu.memory_space<semaphore_mem>>
    %dma_wait3A_664 = tpu.memref_squeeze %dma_wait3A_663 : memref<1x!tpu.dma_semaphore, #tpu.memory_space<semaphore_mem>> -> memref<!tpu.dma_semaphore, #tpu.memory_space<semaphore_mem>>
    tpu.wait_indirect_dma semaphore(%dma_wait3A_664 : memref<!tpu.dma_semaphore, #tpu.memory_space<semaphore_mem>>) src(%dma_wait3A_662 : memref<2048x768xf32, #tpu.memory_space<hbm>>) dst(%dma_wait3A_656 : memref<32x768xf32, #tpu.memory_space<vmem>>)
    %add3A_665 = arith.constant 6144 : i32
    %add3A_666 = arith.addi %add3A_665, %mul3A_2 : i32
    %add3A_667 = arith.constant 0 : i32
    %add3A_668 = arith.addi %add3A_666, %add3A_667 : i32
    %dma_start3A_669 = arith.constant 3 : i32
    %dma_start3A_670 = arith.constant 3 : i32
    %dma_start3A_671 = arith.constant 0 : i32
    %dma_start3A_672 = arith.constant 0 : i32
    %dma_start3A_673 = tpu.memref_slice %arg7[%dma_start3A_669, %dma_start3A_671, %dma_start3A_672] : memref<5x32x768xf32, #tpu.memory_space<vmem>> -> memref<1x32x768xf32, #tpu.memory_space<vmem>>
    %dma_start3A_674 = tpu.memref_squeeze %dma_start3A_673 : memref<1x32x768xf32, #tpu.memory_space<vmem>> -> memref<32x768xf32, #tpu.memory_space<vmem>>
    %dma_start3A_675 = arith.constant 0 : i32
    %dma_start3A_676 = tpu.memref_slice %arg5[%add3A_668, %dma_start3A_675] : memref<8192x768xf32, #tpu.memory_space<hbm>> -> memref<32x768xf32, #tpu.memory_space<hbm>>
    %dma_start3A_677 = tpu.memref_slice %arg10[%dma_start3A_670] : memref<5x!tpu.dma_semaphore, #tpu.memory_space<semaphore_mem>> -> memref<1x!tpu.dma_semaphore, #tpu.memory_space<semaphore_mem>>
    %dma_start3A_678 = tpu.memref_squeeze %dma_start3A_677 : memref<1x!tpu.dma_semaphore, #tpu.memory_space<semaphore_mem>> -> memref<!tpu.dma_semaphore, #tpu.memory_space<semaphore_mem>>
    %dma_start3A_679 = arith.constant 0 : i32
    %dma_start3A_680 = tpu.memref_slice %arg5[%add3A_668, %dma_start3A_679] : memref<8192x768xf32, #tpu.memory_space<hbm>> -> memref<32x768xf32, #tpu.memory_space<hbm>>
    %dma_start3A_681 = arith.constant 0 : i32
    %dma_start3A_682 = arith.constant 0 : i32
    %dma_start3A_683 = tpu.memref_slice %arg7[%dma_start3A_669, %dma_start3A_681, %dma_start3A_682] : memref<5x32x768xf32, #tpu.memory_space<vmem>> -> memref<1x32x768xf32, #tpu.memory_space<vmem>>
    %dma_start3A_684 = tpu.memref_squeeze %dma_start3A_683 : memref<1x32x768xf32, #tpu.memory_space<vmem>> -> memref<32x768xf32, #tpu.memory_space<vmem>>
    tpu.enqueue_dma source(%dma_start3A_684 : memref<32x768xf32, #tpu.memory_space<vmem>>) target(%dma_start3A_680 : memref<32x768xf32, #tpu.memory_space<hbm>>) target_semaphore(%dma_start3A_678 : memref<!tpu.dma_semaphore, #tpu.memory_space<semaphore_mem>>)
    %dma_wait3A_685 = arith.constant 0 : i32
    %dma_wait3A_686 = arith.constant 4 : i32
    %dma_wait3A_687 = arith.constant 4 : i32
    %dma_wait3A_688 = arith.constant 0 : i32
    %dma_wait3A_689 = arith.constant 0 : i32
    %dma_wait3A_690 = tpu.memref_slice %arg7[%dma_wait3A_686, %dma_wait3A_688, %dma_wait3A_689] : memref<5x32x768xf32, #tpu.memory_space<vmem>> -> memref<1x32x768xf32, #tpu.memory_space<vmem>>
    %dma_wait3A_691 = tpu.memref_squeeze %dma_wait3A_690 : memref<1x32x768xf32, #tpu.memory_space<vmem>> -> memref<32x768xf32, #tpu.memory_space<vmem>>
    %dma_wait3A_692 = arith.constant 32 : i32
    %dma_wait3A_693 = tpu.memref_slice %arg6[%dma_wait3A_685, %dma_wait3A_692] : memref<4x64xi32, #tpu.memory_space<vmem>> -> memref<1x32xi32, #tpu.memory_space<vmem>>
    %dma_wait3A_694 = tpu.memref_squeeze %dma_wait3A_693 : memref<1x32xi32, #tpu.memory_space<vmem>> -> memref<32xi32, #tpu.memory_space<vmem>>
    %dma_wait3A_695 = arith.constant 0 : i32
    %dma_wait3A_696 = arith.constant 0 : i32
    %dma_wait3A_697 = tpu.memref_slice %arg4[%dma_wait3A_695, %dma_wait3A_696] : memref<2048x768xf32, #tpu.memory_space<hbm>> -> memref<2048x768xf32, #tpu.memory_space<hbm>>
    %dma_wait3A_698 = tpu.memref_slice %arg9[%dma_wait3A_687] : memref<5x!tpu.dma_semaphore, #tpu.memory_space<semaphore_mem>> -> memref<1x!tpu.dma_semaphore, #tpu.memory_space<semaphore_mem>>
    %dma_wait3A_699 = tpu.memref_squeeze %dma_wait3A_698 : memref<1x!tpu.dma_semaphore, #tpu.memory_space<semaphore_mem>> -> memref<!tpu.dma_semaphore, #tpu.memory_space<semaphore_mem>>
    tpu.wait_indirect_dma semaphore(%dma_wait3A_699 : memref<!tpu.dma_semaphore, #tpu.memory_space<semaphore_mem>>) src(%dma_wait3A_697 : memref<2048x768xf32, #tpu.memory_space<hbm>>) dst(%dma_wait3A_691 : memref<32x768xf32, #tpu.memory_space<vmem>>)
    %add3A_700 = arith.constant 0 : i32
    %add3A_701 = arith.addi %add3A_700, %mul3A_2 : i32
    %add3A_702 = arith.constant 32 : i32
    %add3A_703 = arith.addi %add3A_701, %add3A_702 : i32
    %dma_start3A_704 = arith.constant 4 : i32
    %dma_start3A_705 = arith.constant 4 : i32
    %dma_start3A_706 = arith.constant 0 : i32
    %dma_start3A_707 = arith.constant 0 : i32
    %dma_start3A_708 = tpu.memref_slice %arg7[%dma_start3A_704, %dma_start3A_706, %dma_start3A_707] : memref<5x32x768xf32, #tpu.memory_space<vmem>> -> memref<1x32x768xf32, #tpu.memory_space<vmem>>
    %dma_start3A_709 = tpu.memref_squeeze %dma_start3A_708 : memref<1x32x768xf32, #tpu.memory_space<vmem>> -> memref<32x768xf32, #tpu.memory_space<vmem>>
    %dma_start3A_710 = arith.constant 0 : i32
    %dma_start3A_711 = tpu.memref_slice %arg5[%add3A_703, %dma_start3A_710] : memref<8192x768xf32, #tpu.memory_space<hbm>> -> memref<32x768xf32, #tpu.memory_space<hbm>>
    %dma_start3A_712 = tpu.memref_slice %arg10[%dma_start3A_705] : memref<5x!tpu.dma_semaphore, #tpu.memory_space<semaphore_mem>> -> memref<1x!tpu.dma_semaphore, #tpu.memory_space<semaphore_mem>>
    %dma_start3A_713 = tpu.memref_squeeze %dma_start3A_712 : memref<1x!tpu.dma_semaphore, #tpu.memory_space<semaphore_mem>> -> memref<!tpu.dma_semaphore, #tpu.memory_space<semaphore_mem>>
    %dma_start3A_714 = arith.constant 0 : i32
    %dma_start3A_715 = tpu.memref_slice %arg5[%add3A_703, %dma_start3A_714] : memref<8192x768xf32, #tpu.memory_space<hbm>> -> memref<32x768xf32, #tpu.memory_space<hbm>>
    %dma_start3A_716 = arith.constant 0 : i32
    %dma_start3A_717 = arith.constant 0 : i32
    %dma_start3A_718 = tpu.memref_slice %arg7[%dma_start3A_704, %dma_start3A_716, %dma_start3A_717] : memref<5x32x768xf32, #tpu.memory_space<vmem>> -> memref<1x32x768xf32, #tpu.memory_space<vmem>>
    %dma_start3A_719 = tpu.memref_squeeze %dma_start3A_718 : memref<1x32x768xf32, #tpu.memory_space<vmem>> -> memref<32x768xf32, #tpu.memory_space<vmem>>
    tpu.enqueue_dma source(%dma_start3A_719 : memref<32x768xf32, #tpu.memory_space<vmem>>) target(%dma_start3A_715 : memref<32x768xf32, #tpu.memory_space<hbm>>) target_semaphore(%dma_start3A_713 : memref<!tpu.dma_semaphore, #tpu.memory_space<semaphore_mem>>)
    %dma_wait3A_720 = arith.constant 1 : i32
    %dma_wait3A_721 = arith.constant 0 : i32
    %dma_wait3A_722 = arith.constant 0 : i32
    %dma_wait3A_723 = arith.constant 0 : i32
    %dma_wait3A_724 = arith.constant 0 : i32
    %dma_wait3A_725 = tpu.memref_slice %arg7[%dma_wait3A_721, %dma_wait3A_723, %dma_wait3A_724] : memref<5x32x768xf32, #tpu.memory_space<vmem>> -> memref<1x32x768xf32, #tpu.memory_space<vmem>>
    %dma_wait3A_726 = tpu.memref_squeeze %dma_wait3A_725 : memref<1x32x768xf32, #tpu.memory_space<vmem>> -> memref<32x768xf32, #tpu.memory_space<vmem>>
    %dma_wait3A_727 = arith.constant 32 : i32
    %dma_wait3A_728 = tpu.memref_slice %arg6[%dma_wait3A_720, %dma_wait3A_727] : memref<4x64xi32, #tpu.memory_space<vmem>> -> memref<1x32xi32, #tpu.memory_space<vmem>>
    %dma_wait3A_729 = tpu.memref_squeeze %dma_wait3A_728 : memref<1x32xi32, #tpu.memory_space<vmem>> -> memref<32xi32, #tpu.memory_space<vmem>>
    %dma_wait3A_730 = arith.constant 0 : i32
    %dma_wait3A_731 = arith.constant 0 : i32
    %dma_wait3A_732 = tpu.memref_slice %arg4[%dma_wait3A_730, %dma_wait3A_731] : memref<2048x768xf32, #tpu.memory_space<hbm>> -> memref<2048x768xf32, #tpu.memory_space<hbm>>
    %dma_wait3A_733 = tpu.memref_slice %arg9[%dma_wait3A_722] : memref<5x!tpu.dma_semaphore, #tpu.memory_space<semaphore_mem>> -> memref<1x!tpu.dma_semaphore, #tpu.memory_space<semaphore_mem>>
    %dma_wait3A_734 = tpu.memref_squeeze %dma_wait3A_733 : memref<1x!tpu.dma_semaphore, #tpu.memory_space<semaphore_mem>> -> memref<!tpu.dma_semaphore, #tpu.memory_space<semaphore_mem>>
    tpu.wait_indirect_dma semaphore(%dma_wait3A_734 : memref<!tpu.dma_semaphore, #tpu.memory_space<semaphore_mem>>) src(%dma_wait3A_732 : memref<2048x768xf32, #tpu.memory_space<hbm>>) dst(%dma_wait3A_726 : memref<32x768xf32, #tpu.memory_space<vmem>>)
    %add3A_735 = arith.constant 2048 : i32
    %add3A_736 = arith.addi %add3A_735, %mul3A_2 : i32
    %add3A_737 = arith.constant 32 : i32
    %add3A_738 = arith.addi %add3A_736, %add3A_737 : i32
    %dma_start3A_739 = arith.constant 0 : i32
    %dma_start3A_740 = arith.constant 0 : i32
    %dma_start3A_741 = arith.constant 0 : i32
    %dma_start3A_742 = arith.constant 0 : i32
    %dma_start3A_743 = tpu.memref_slice %arg7[%dma_start3A_739, %dma_start3A_741, %dma_start3A_742] : memref<5x32x768xf32, #tpu.memory_space<vmem>> -> memref<1x32x768xf32, #tpu.memory_space<vmem>>
    %dma_start3A_744 = tpu.memref_squeeze %dma_start3A_743 : memref<1x32x768xf32, #tpu.memory_space<vmem>> -> memref<32x768xf32, #tpu.memory_space<vmem>>
    %dma_start3A_745 = arith.constant 0 : i32
    %dma_start3A_746 = tpu.memref_slice %arg5[%add3A_738, %dma_start3A_745] : memref<8192x768xf32, #tpu.memory_space<hbm>> -> memref<32x768xf32, #tpu.memory_space<hbm>>
    %dma_start3A_747 = tpu.memref_slice %arg10[%dma_start3A_740] : memref<5x!tpu.dma_semaphore, #tpu.memory_space<semaphore_mem>> -> memref<1x!tpu.dma_semaphore, #tpu.memory_space<semaphore_mem>>
    %dma_start3A_748 = tpu.memref_squeeze %dma_start3A_747 : memref<1x!tpu.dma_semaphore, #tpu.memory_space<semaphore_mem>> -> memref<!tpu.dma_semaphore, #tpu.memory_space<semaphore_mem>>
    %dma_start3A_749 = arith.constant 0 : i32
    %dma_start3A_750 = tpu.memref_slice %arg5[%add3A_738, %dma_start3A_749] : memref<8192x768xf32, #tpu.memory_space<hbm>> -> memref<32x768xf32, #tpu.memory_space<hbm>>
    %dma_start3A_751 = arith.constant 0 : i32
    %dma_start3A_752 = arith.constant 0 : i32
    %dma_start3A_753 = tpu.memref_slice %arg7[%dma_start3A_739, %dma_start3A_751, %dma_start3A_752] : memref<5x32x768xf32, #tpu.memory_space<vmem>> -> memref<1x32x768xf32, #tpu.memory_space<vmem>>
    %dma_start3A_754 = tpu.memref_squeeze %dma_start3A_753 : memref<1x32x768xf32, #tpu.memory_space<vmem>> -> memref<32x768xf32, #tpu.memory_space<vmem>>
    tpu.enqueue_dma source(%dma_start3A_754 : memref<32x768xf32, #tpu.memory_space<vmem>>) target(%dma_start3A_750 : memref<32x768xf32, #tpu.memory_space<hbm>>) target_semaphore(%dma_start3A_748 : memref<!tpu.dma_semaphore, #tpu.memory_space<semaphore_mem>>)
    %dma_wait3A_755 = arith.constant 2 : i32
    %dma_wait3A_756 = arith.constant 1 : i32
    %dma_wait3A_757 = arith.constant 1 : i32
    %dma_wait3A_758 = arith.constant 0 : i32
    %dma_wait3A_759 = arith.constant 0 : i32
    %dma_wait3A_760 = tpu.memref_slice %arg7[%dma_wait3A_756, %dma_wait3A_758, %dma_wait3A_759] : memref<5x32x768xf32, #tpu.memory_space<vmem>> -> memref<1x32x768xf32, #tpu.memory_space<vmem>>
    %dma_wait3A_761 = tpu.memref_squeeze %dma_wait3A_760 : memref<1x32x768xf32, #tpu.memory_space<vmem>> -> memref<32x768xf32, #tpu.memory_space<vmem>>
    %dma_wait3A_762 = arith.constant 32 : i32
    %dma_wait3A_763 = tpu.memref_slice %arg6[%dma_wait3A_755, %dma_wait3A_762] : memref<4x64xi32, #tpu.memory_space<vmem>> -> memref<1x32xi32, #tpu.memory_space<vmem>>
    %dma_wait3A_764 = tpu.memref_squeeze %dma_wait3A_763 : memref<1x32xi32, #tpu.memory_space<vmem>> -> memref<32xi32, #tpu.memory_space<vmem>>
    %dma_wait3A_765 = arith.constant 0 : i32
    %dma_wait3A_766 = arith.constant 0 : i32
    %dma_wait3A_767 = tpu.memref_slice %arg4[%dma_wait3A_765, %dma_wait3A_766] : memref<2048x768xf32, #tpu.memory_space<hbm>> -> memref<2048x768xf32, #tpu.memory_space<hbm>>
    %dma_wait3A_768 = tpu.memref_slice %arg9[%dma_wait3A_757] : memref<5x!tpu.dma_semaphore, #tpu.memory_space<semaphore_mem>> -> memref<1x!tpu.dma_semaphore, #tpu.memory_space<semaphore_mem>>
    %dma_wait3A_769 = tpu.memref_squeeze %dma_wait3A_768 : memref<1x!tpu.dma_semaphore, #tpu.memory_space<semaphore_mem>> -> memref<!tpu.dma_semaphore, #tpu.memory_space<semaphore_mem>>
    tpu.wait_indirect_dma semaphore(%dma_wait3A_769 : memref<!tpu.dma_semaphore, #tpu.memory_space<semaphore_mem>>) src(%dma_wait3A_767 : memref<2048x768xf32, #tpu.memory_space<hbm>>) dst(%dma_wait3A_761 : memref<32x768xf32, #tpu.memory_space<vmem>>)
    %add3A_770 = arith.constant 4096 : i32
    %add3A_771 = arith.addi %add3A_770, %mul3A_2 : i32
    %add3A_772 = arith.constant 32 : i32
    %add3A_773 = arith.addi %add3A_771, %add3A_772 : i32
    %dma_start3A_774 = arith.constant 1 : i32
    %dma_start3A_775 = arith.constant 1 : i32
    %dma_start3A_776 = arith.constant 0 : i32
    %dma_start3A_777 = arith.constant 0 : i32
    %dma_start3A_778 = tpu.memref_slice %arg7[%dma_start3A_774, %dma_start3A_776, %dma_start3A_777] : memref<5x32x768xf32, #tpu.memory_space<vmem>> -> memref<1x32x768xf32, #tpu.memory_space<vmem>>
    %dma_start3A_779 = tpu.memref_squeeze %dma_start3A_778 : memref<1x32x768xf32, #tpu.memory_space<vmem>> -> memref<32x768xf32, #tpu.memory_space<vmem>>
    %dma_start3A_780 = arith.constant 0 : i32
    %dma_start3A_781 = tpu.memref_slice %arg5[%add3A_773, %dma_start3A_780] : memref<8192x768xf32, #tpu.memory_space<hbm>> -> memref<32x768xf32, #tpu.memory_space<hbm>>
    %dma_start3A_782 = tpu.memref_slice %arg10[%dma_start3A_775] : memref<5x!tpu.dma_semaphore, #tpu.memory_space<semaphore_mem>> -> memref<1x!tpu.dma_semaphore, #tpu.memory_space<semaphore_mem>>
    %dma_start3A_783 = tpu.memref_squeeze %dma_start3A_782 : memref<1x!tpu.dma_semaphore, #tpu.memory_space<semaphore_mem>> -> memref<!tpu.dma_semaphore, #tpu.memory_space<semaphore_mem>>
    %dma_start3A_784 = arith.constant 0 : i32
    %dma_start3A_785 = tpu.memref_slice %arg5[%add3A_773, %dma_start3A_784] : memref<8192x768xf32, #tpu.memory_space<hbm>> -> memref<32x768xf32, #tpu.memory_space<hbm>>
    %dma_start3A_786 = arith.constant 0 : i32
    %dma_start3A_787 = arith.constant 0 : i32
    %dma_start3A_788 = tpu.memref_slice %arg7[%dma_start3A_774, %dma_start3A_786, %dma_start3A_787] : memref<5x32x768xf32, #tpu.memory_space<vmem>> -> memref<1x32x768xf32, #tpu.memory_space<vmem>>
    %dma_start3A_789 = tpu.memref_squeeze %dma_start3A_788 : memref<1x32x768xf32, #tpu.memory_space<vmem>> -> memref<32x768xf32, #tpu.memory_space<vmem>>
    tpu.enqueue_dma source(%dma_start3A_789 : memref<32x768xf32, #tpu.memory_space<vmem>>) target(%dma_start3A_785 : memref<32x768xf32, #tpu.memory_space<hbm>>) target_semaphore(%dma_start3A_783 : memref<!tpu.dma_semaphore, #tpu.memory_space<semaphore_mem>>)
    %dma_wait3A_790 = arith.constant 3 : i32
    %dma_wait3A_791 = arith.constant 2 : i32
    %dma_wait3A_792 = arith.constant 2 : i32
    %dma_wait3A_793 = arith.constant 0 : i32
    %dma_wait3A_794 = arith.constant 0 : i32
    %dma_wait3A_795 = tpu.memref_slice %arg7[%dma_wait3A_791, %dma_wait3A_793, %dma_wait3A_794] : memref<5x32x768xf32, #tpu.memory_space<vmem>> -> memref<1x32x768xf32, #tpu.memory_space<vmem>>
    %dma_wait3A_796 = tpu.memref_squeeze %dma_wait3A_795 : memref<1x32x768xf32, #tpu.memory_space<vmem>> -> memref<32x768xf32, #tpu.memory_space<vmem>>
    %dma_wait3A_797 = arith.constant 32 : i32
    %dma_wait3A_798 = tpu.memref_slice %arg6[%dma_wait3A_790, %dma_wait3A_797] : memref<4x64xi32, #tpu.memory_space<vmem>> -> memref<1x32xi32, #tpu.memory_space<vmem>>
    %dma_wait3A_799 = tpu.memref_squeeze %dma_wait3A_798 : memref<1x32xi32, #tpu.memory_space<vmem>> -> memref<32xi32, #tpu.memory_space<vmem>>
    %dma_wait3A_800 = arith.constant 0 : i32
    %dma_wait3A_801 = arith.constant 0 : i32
    %dma_wait3A_802 = tpu.memref_slice %arg4[%dma_wait3A_800, %dma_wait3A_801] : memref<2048x768xf32, #tpu.memory_space<hbm>> -> memref<2048x768xf32, #tpu.memory_space<hbm>>
    %dma_wait3A_803 = tpu.memref_slice %arg9[%dma_wait3A_792] : memref<5x!tpu.dma_semaphore, #tpu.memory_space<semaphore_mem>> -> memref<1x!tpu.dma_semaphore, #tpu.memory_space<semaphore_mem>>
    %dma_wait3A_804 = tpu.memref_squeeze %dma_wait3A_803 : memref<1x!tpu.dma_semaphore, #tpu.memory_space<semaphore_mem>> -> memref<!tpu.dma_semaphore, #tpu.memory_space<semaphore_mem>>
    tpu.wait_indirect_dma semaphore(%dma_wait3A_804 : memref<!tpu.dma_semaphore, #tpu.memory_space<semaphore_mem>>) src(%dma_wait3A_802 : memref<2048x768xf32, #tpu.memory_space<hbm>>) dst(%dma_wait3A_796 : memref<32x768xf32, #tpu.memory_space<vmem>>)
    %add3A_805 = arith.constant 6144 : i32
    %add3A_806 = arith.addi %add3A_805, %mul3A_2 : i32
    %add3A_807 = arith.constant 32 : i32
    %add3A_808 = arith.addi %add3A_806, %add3A_807 : i32
    %dma_start3A_809 = arith.constant 2 : i32
    %dma_start3A_810 = arith.constant 2 : i32
    %dma_start3A_811 = arith.constant 0 : i32
    %dma_start3A_812 = arith.constant 0 : i32
    %dma_start3A_813 = tpu.memref_slice %arg7[%dma_start3A_809, %dma_start3A_811, %dma_start3A_812] : memref<5x32x768xf32, #tpu.memory_space<vmem>> -> memref<1x32x768xf32, #tpu.memory_space<vmem>>
    %dma_start3A_814 = tpu.memref_squeeze %dma_start3A_813 : memref<1x32x768xf32, #tpu.memory_space<vmem>> -> memref<32x768xf32, #tpu.memory_space<vmem>>
    %dma_start3A_815 = arith.constant 0 : i32
    %dma_start3A_816 = tpu.memref_slice %arg5[%add3A_808, %dma_start3A_815] : memref<8192x768xf32, #tpu.memory_space<hbm>> -> memref<32x768xf32, #tpu.memory_space<hbm>>
    %dma_start3A_817 = tpu.memref_slice %arg10[%dma_start3A_810] : memref<5x!tpu.dma_semaphore, #tpu.memory_space<semaphore_mem>> -> memref<1x!tpu.dma_semaphore, #tpu.memory_space<semaphore_mem>>
    %dma_start3A_818 = tpu.memref_squeeze %dma_start3A_817 : memref<1x!tpu.dma_semaphore, #tpu.memory_space<semaphore_mem>> -> memref<!tpu.dma_semaphore, #tpu.memory_space<semaphore_mem>>
    %dma_start3A_819 = arith.constant 0 : i32
    %dma_start3A_820 = tpu.memref_slice %arg5[%add3A_808, %dma_start3A_819] : memref<8192x768xf32, #tpu.memory_space<hbm>> -> memref<32x768xf32, #tpu.memory_space<hbm>>
    %dma_start3A_821 = arith.constant 0 : i32
    %dma_start3A_822 = arith.constant 0 : i32
    %dma_start3A_823 = tpu.memref_slice %arg7[%dma_start3A_809, %dma_start3A_821, %dma_start3A_822] : memref<5x32x768xf32, #tpu.memory_space<vmem>> -> memref<1x32x768xf32, #tpu.memory_space<vmem>>
    %dma_start3A_824 = tpu.memref_squeeze %dma_start3A_823 : memref<1x32x768xf32, #tpu.memory_space<vmem>> -> memref<32x768xf32, #tpu.memory_space<vmem>>
    tpu.enqueue_dma source(%dma_start3A_824 : memref<32x768xf32, #tpu.memory_space<vmem>>) target(%dma_start3A_820 : memref<32x768xf32, #tpu.memory_space<hbm>>) target_semaphore(%dma_start3A_818 : memref<!tpu.dma_semaphore, #tpu.memory_space<semaphore_mem>>)
    %dma_wait3A_825 = arith.constant 3 : i32
    %dma_wait3A_826 = arith.constant 3 : i32
    %dma_wait3A_827 = arith.constant 0 : i32
    %dma_wait3A_828 = arith.constant 0 : i32
    %dma_wait3A_829 = tpu.memref_slice %arg7[%dma_wait3A_825, %dma_wait3A_827, %dma_wait3A_828] : memref<5x32x768xf32, #tpu.memory_space<vmem>> -> memref<1x32x768xf32, #tpu.memory_space<vmem>>
    %dma_wait3A_830 = tpu.memref_squeeze %dma_wait3A_829 : memref<1x32x768xf32, #tpu.memory_space<vmem>> -> memref<32x768xf32, #tpu.memory_space<vmem>>
    %dma_wait3A_831 = arith.constant 0 : i32
    %dma_wait3A_832 = tpu.memref_slice %arg5[%add3A_668, %dma_wait3A_831] : memref<8192x768xf32, #tpu.memory_space<hbm>> -> memref<32x768xf32, #tpu.memory_space<hbm>>
    %dma_wait3A_833 = tpu.memref_slice %arg10[%dma_wait3A_826] : memref<5x!tpu.dma_semaphore, #tpu.memory_space<semaphore_mem>> -> memref<1x!tpu.dma_semaphore, #tpu.memory_space<semaphore_mem>>
    %dma_wait3A_834 = tpu.memref_squeeze %dma_wait3A_833 : memref<1x!tpu.dma_semaphore, #tpu.memory_space<semaphore_mem>> -> memref<!tpu.dma_semaphore, #tpu.memory_space<semaphore_mem>>
    %dma_wait3A_835 = arith.constant 0 : i32
    %dma_wait3A_836 = tpu.memref_slice %arg5[%add3A_668, %dma_wait3A_835] : memref<8192x768xf32, #tpu.memory_space<hbm>> -> memref<32x768xf32, #tpu.memory_space<hbm>>
    %dma_wait3A_837 = arith.constant 0 : i32
    %dma_wait3A_838 = arith.constant 0 : i32
    %dma_wait3A_839 = tpu.memref_slice %arg7[%dma_wait3A_825, %dma_wait3A_837, %dma_wait3A_838] : memref<5x32x768xf32, #tpu.memory_space<vmem>> -> memref<1x32x768xf32, #tpu.memory_space<vmem>>
    %dma_wait3A_840 = tpu.memref_squeeze %dma_wait3A_839 : memref<1x32x768xf32, #tpu.memory_space<vmem>> -> memref<32x768xf32, #tpu.memory_space<vmem>>
    tpu.wait_dma2 semaphore(%dma_wait3A_834 : memref<!tpu.dma_semaphore, #tpu.memory_space<semaphore_mem>>) src(%dma_wait3A_840 : memref<32x768xf32, #tpu.memory_space<vmem>>) dst(%dma_wait3A_836 : memref<32x768xf32, #tpu.memory_space<hbm>>)
    %dma_wait3A_841 = arith.constant 4 : i32
    %dma_wait3A_842 = arith.constant 4 : i32
    %dma_wait3A_843 = arith.constant 0 : i32
    %dma_wait3A_844 = arith.constant 0 : i32
    %dma_wait3A_845 = tpu.memref_slice %arg7[%dma_wait3A_841, %dma_wait3A_843, %dma_wait3A_844] : memref<5x32x768xf32, #tpu.memory_space<vmem>> -> memref<1x32x768xf32, #tpu.memory_space<vmem>>
    %dma_wait3A_846 = tpu.memref_squeeze %dma_wait3A_845 : memref<1x32x768xf32, #tpu.memory_space<vmem>> -> memref<32x768xf32, #tpu.memory_space<vmem>>
    %dma_wait3A_847 = arith.constant 0 : i32
    %dma_wait3A_848 = tpu.memref_slice %arg5[%add3A_703, %dma_wait3A_847] : memref<8192x768xf32, #tpu.memory_space<hbm>> -> memref<32x768xf32, #tpu.memory_space<hbm>>
    %dma_wait3A_849 = tpu.memref_slice %arg10[%dma_wait3A_842] : memref<5x!tpu.dma_semaphore, #tpu.memory_space<semaphore_mem>> -> memref<1x!tpu.dma_semaphore, #tpu.memory_space<semaphore_mem>>
    %dma_wait3A_850 = tpu.memref_squeeze %dma_wait3A_849 : memref<1x!tpu.dma_semaphore, #tpu.memory_space<semaphore_mem>> -> memref<!tpu.dma_semaphore, #tpu.memory_space<semaphore_mem>>
    %dma_wait3A_851 = arith.constant 0 : i32
    %dma_wait3A_852 = tpu.memref_slice %arg5[%add3A_703, %dma_wait3A_851] : memref<8192x768xf32, #tpu.memory_space<hbm>> -> memref<32x768xf32, #tpu.memory_space<hbm>>
    %dma_wait3A_853 = arith.constant 0 : i32
    %dma_wait3A_854 = arith.constant 0 : i32
    %dma_wait3A_855 = tpu.memref_slice %arg7[%dma_wait3A_841, %dma_wait3A_853, %dma_wait3A_854] : memref<5x32x768xf32, #tpu.memory_space<vmem>> -> memref<1x32x768xf32, #tpu.memory_space<vmem>>
    %dma_wait3A_856 = tpu.memref_squeeze %dma_wait3A_855 : memref<1x32x768xf32, #tpu.memory_space<vmem>> -> memref<32x768xf32, #tpu.memory_space<vmem>>
    tpu.wait_dma2 semaphore(%dma_wait3A_850 : memref<!tpu.dma_semaphore, #tpu.memory_space<semaphore_mem>>) src(%dma_wait3A_856 : memref<32x768xf32, #tpu.memory_space<vmem>>) dst(%dma_wait3A_852 : memref<32x768xf32, #tpu.memory_space<hbm>>)
    %dma_wait3A_857 = arith.constant 0 : i32
    %dma_wait3A_858 = arith.constant 0 : i32
    %dma_wait3A_859 = arith.constant 0 : i32
    %dma_wait3A_860 = arith.constant 0 : i32
    %dma_wait3A_861 = tpu.memref_slice %arg7[%dma_wait3A_857, %dma_wait3A_859, %dma_wait3A_860] : memref<5x32x768xf32, #tpu.memory_space<vmem>> -> memref<1x32x768xf32, #tpu.memory_space<vmem>>
    %dma_wait3A_862 = tpu.memref_squeeze %dma_wait3A_861 : memref<1x32x768xf32, #tpu.memory_space<vmem>> -> memref<32x768xf32, #tpu.memory_space<vmem>>
    %dma_wait3A_863 = arith.constant 0 : i32
    %dma_wait3A_864 = tpu.memref_slice %arg5[%add3A_738, %dma_wait3A_863] : memref<8192x768xf32, #tpu.memory_space<hbm>> -> memref<32x768xf32, #tpu.memory_space<hbm>>
    %dma_wait3A_865 = tpu.memref_slice %arg10[%dma_wait3A_858] : memref<5x!tpu.dma_semaphore, #tpu.memory_space<semaphore_mem>> -> memref<1x!tpu.dma_semaphore, #tpu.memory_space<semaphore_mem>>
    %dma_wait3A_866 = tpu.memref_squeeze %dma_wait3A_865 : memref<1x!tpu.dma_semaphore, #tpu.memory_space<semaphore_mem>> -> memref<!tpu.dma_semaphore, #tpu.memory_space<semaphore_mem>>
    %dma_wait3A_867 = arith.constant 0 : i32
    %dma_wait3A_868 = tpu.memref_slice %arg5[%add3A_738, %dma_wait3A_867] : memref<8192x768xf32, #tpu.memory_space<hbm>> -> memref<32x768xf32, #tpu.memory_space<hbm>>
    %dma_wait3A_869 = arith.constant 0 : i32
    %dma_wait3A_870 = arith.constant 0 : i32
    %dma_wait3A_871 = tpu.memref_slice %arg7[%dma_wait3A_857, %dma_wait3A_869, %dma_wait3A_870] : memref<5x32x768xf32, #tpu.memory_space<vmem>> -> memref<1x32x768xf32, #tpu.memory_space<vmem>>
    %dma_wait3A_872 = tpu.memref_squeeze %dma_wait3A_871 : memref<1x32x768xf32, #tpu.memory_space<vmem>> -> memref<32x768xf32, #tpu.memory_space<vmem>>
    tpu.wait_dma2 semaphore(%dma_wait3A_866 : memref<!tpu.dma_semaphore, #tpu.memory_space<semaphore_mem>>) src(%dma_wait3A_872 : memref<32x768xf32, #tpu.memory_space<vmem>>) dst(%dma_wait3A_868 : memref<32x768xf32, #tpu.memory_space<hbm>>)
    %dma_wait3A_873 = arith.constant 1 : i32
    %dma_wait3A_874 = arith.constant 1 : i32
    %dma_wait3A_875 = arith.constant 0 : i32
    %dma_wait3A_876 = arith.constant 0 : i32
    %dma_wait3A_877 = tpu.memref_slice %arg7[%dma_wait3A_873, %dma_wait3A_875, %dma_wait3A_876] : memref<5x32x768xf32, #tpu.memory_space<vmem>> -> memref<1x32x768xf32, #tpu.memory_space<vmem>>
    %dma_wait3A_878 = tpu.memref_squeeze %dma_wait3A_877 : memref<1x32x768xf32, #tpu.memory_space<vmem>> -> memref<32x768xf32, #tpu.memory_space<vmem>>
    %dma_wait3A_879 = arith.constant 0 : i32
    %dma_wait3A_880 = tpu.memref_slice %arg5[%add3A_773, %dma_wait3A_879] : memref<8192x768xf32, #tpu.memory_space<hbm>> -> memref<32x768xf32, #tpu.memory_space<hbm>>
    %dma_wait3A_881 = tpu.memref_slice %arg10[%dma_wait3A_874] : memref<5x!tpu.dma_semaphore, #tpu.memory_space<semaphore_mem>> -> memref<1x!tpu.dma_semaphore, #tpu.memory_space<semaphore_mem>>
    %dma_wait3A_882 = tpu.memref_squeeze %dma_wait3A_881 : memref<1x!tpu.dma_semaphore, #tpu.memory_space<semaphore_mem>> -> memref<!tpu.dma_semaphore, #tpu.memory_space<semaphore_mem>>
    %dma_wait3A_883 = arith.constant 0 : i32
    %dma_wait3A_884 = tpu.memref_slice %arg5[%add3A_773, %dma_wait3A_883] : memref<8192x768xf32, #tpu.memory_space<hbm>> -> memref<32x768xf32, #tpu.memory_space<hbm>>
    %dma_wait3A_885 = arith.constant 0 : i32
    %dma_wait3A_886 = arith.constant 0 : i32
    %dma_wait3A_887 = tpu.memref_slice %arg7[%dma_wait3A_873, %dma_wait3A_885, %dma_wait3A_886] : memref<5x32x768xf32, #tpu.memory_space<vmem>> -> memref<1x32x768xf32, #tpu.memory_space<vmem>>
    %dma_wait3A_888 = tpu.memref_squeeze %dma_wait3A_887 : memref<1x32x768xf32, #tpu.memory_space<vmem>> -> memref<32x768xf32, #tpu.memory_space<vmem>>
    tpu.wait_dma2 semaphore(%dma_wait3A_882 : memref<!tpu.dma_semaphore, #tpu.memory_space<semaphore_mem>>) src(%dma_wait3A_888 : memref<32x768xf32, #tpu.memory_space<vmem>>) dst(%dma_wait3A_884 : memref<32x768xf32, #tpu.memory_space<hbm>>)
    %dma_wait3A_889 = arith.constant 2 : i32
    %dma_wait3A_890 = arith.constant 2 : i32
    %dma_wait3A_891 = arith.constant 0 : i32
    %dma_wait3A_892 = arith.constant 0 : i32
    %dma_wait3A_893 = tpu.memref_slice %arg7[%dma_wait3A_889, %dma_wait3A_891, %dma_wait3A_892] : memref<5x32x768xf32, #tpu.memory_space<vmem>> -> memref<1x32x768xf32, #tpu.memory_space<vmem>>
    %dma_wait3A_894 = tpu.memref_squeeze %dma_wait3A_893 : memref<1x32x768xf32, #tpu.memory_space<vmem>> -> memref<32x768xf32, #tpu.memory_space<vmem>>
    %dma_wait3A_895 = arith.constant 0 : i32
    %dma_wait3A_896 = tpu.memref_slice %arg5[%add3A_808, %dma_wait3A_895] : memref<8192x768xf32, #tpu.memory_space<hbm>> -> memref<32x768xf32, #tpu.memory_space<hbm>>
    %dma_wait3A_897 = tpu.memref_slice %arg10[%dma_wait3A_890] : memref<5x!tpu.dma_semaphore, #tpu.memory_space<semaphore_mem>> -> memref<1x!tpu.dma_semaphore, #tpu.memory_space<semaphore_mem>>
    %dma_wait3A_898 = tpu.memref_squeeze %dma_wait3A_897 : memref<1x!tpu.dma_semaphore, #tpu.memory_space<semaphore_mem>> -> memref<!tpu.dma_semaphore, #tpu.memory_space<semaphore_mem>>
    %dma_wait3A_899 = arith.constant 0 : i32
    %dma_wait3A_900 = tpu.memref_slice %arg5[%add3A_808, %dma_wait3A_899] : memref<8192x768xf32, #tpu.memory_space<hbm>> -> memref<32x768xf32, #tpu.memory_space<hbm>>
    %dma_wait3A_901 = arith.constant 0 : i32
    %dma_wait3A_902 = arith.constant 0 : i32
    %dma_wait3A_903 = tpu.memref_slice %arg7[%dma_wait3A_889, %dma_wait3A_901, %dma_wait3A_902] : memref<5x32x768xf32, #tpu.memory_space<vmem>> -> memref<1x32x768xf32, #tpu.memory_space<vmem>>
    %dma_wait3A_904 = tpu.memref_squeeze %dma_wait3A_903 : memref<1x32x768xf32, #tpu.memory_space<vmem>> -> memref<32x768xf32, #tpu.memory_space<vmem>>
    tpu.wait_dma2 semaphore(%dma_wait3A_898 : memref<!tpu.dma_semaphore, #tpu.memory_space<semaphore_mem>>) src(%dma_wait3A_904 : memref<32x768xf32, #tpu.memory_space<vmem>>) dst(%dma_wait3A_900 : memref<32x768xf32, #tpu.memory_space<hbm>>)
    return
  }
}

</mosaic_0001>

<sc_bundles>
// kernel: kernel.3.cloned.1.call-start
scs
__scs_entry_jumppad:
0x0: {  	(pc) =	sbr.rel $0x88, $3  }
0x1: {  	(tag) =	ssettag $0x0;
	lr =	simm.s32 $0x1  }
0x2: {  	[smem:$0x3F9E] =	sst lr;
	_ =	strace $0xD0000000  }
0x3: {  	_ = 	snop  }
0x4: {  	_ = 	snop  }
0x5: {  	_ = 	snop  }
0x6: {  	_ = 	snop  }
0x7: {  	_ = 	snop  }
__scs_overlays_trampoline_lowered:
0x8: {  	[smem:$0x3FAD] =	sst s0  }
0x9: {  	[smem:$0x3FAE] =	sst s1  }
0xa: {  	[smem:$0x3FAF] =	sst s2  }
0xb: {  	[smem:$0x3FB0] =	sst s3  }
0xc: {  	[smem:$0x3FB1] =	sst s4  }
0xd: {  	[smem:$0x3FB2] =	sst s5  }
0xe: {  	[smem:$0x3FB3] =	sst s6  }
0xf: {  	[smem:$0x3FB4] =	sst s7  }
0x10: {  	[smem:$0x3FB5] =	sst s8  }
0x11: {  	[smem:$0x3FB6] =	sst s9;
	s0 =	simm.s32 @!p0 $0x0  }
0x12: {  	s1 =	sld [smem:$0x3F9C];
	s0 =	simm.s32 @p0 $0x1  }
0x13: {  	[smem:$0x3FB7] =	sst s0;
	s0 =	simm.s32 @!p1 $0x0  }
0x14: {  	s2 =	sld [smem:$0x3F9B];
	s0 =	simm.s32 @p1 $0x1  }
0x15: {  	[smem:$0x3FB8] =	sst s0;
	s0 =	simm.s32 @!p2 $0x0  }
0x16: {  	s3 =	sld [smem:$0x3FDB];
	s0 =	simm.s32 @p2 $0x1  }
0x17: {  	s4 =	simm.s32 $0x1BF5;
	[smem:$0x3FBA] =	sst s0  }
0x18: {  	s0 =	sld [smem:$0x3F9D];
	_ =	swait.ge [sflag:s4], $0x0  }
0x19: {  	s7 =	sld [smem:$0x3F9E]  }
0x1a: {  	s8 =	sadd.s32 $0xFFFFE003, lr  }
0x1b: {  	s9 =	sadd.s32 $0xFFFFFEF7, lr;
	s5 =	simm.s32 $0xFFFFFFFF;
	p2 =	slt.u32 s8, $0xFFFFF086  }
0x1c: {  	p1 =	slt.u32 s9, $0xF7A;
	s5 =	simm.s32 @!p2 $0x0  }
0x1d: {  	s5 =	simm.s32 @p1 $0x1;
	p0 =	seq.s32 s7, s2  }
0x1e: {  	s7 =	smul.u32 @!p0 $0xF7A, s2;
	p2 =	seq.s32 @!p0 s5, $0x0  }
0x1f: {  	s9 =	smul.u32 $0xF7A, s1;
	s8 =	simm.s32 @!p0 $0x1BF5;
	p2 =	por !p2, p0  }
0x20: {  	[sflag:s8] =	ssyncset.s32 @!p0 $0xFFFFF086;
	s6 =	sadd.s32 @!p0 s3, s7;
	s7 =	simm.s32 @!p0 $0x108  }
0x21: {  	s3 =	sadd.s32 s3, s9;
	s6 =	sadd.s32 @!p0 $0x88, s6;
	s7 =	simm.s32 @p2 $0x1082  }
0x22: {  	[simem:s7], [sflag:s8] =	dma.local @!p0 [hbm:s6], $0xF7A  }
0x23: {  	s9 =	sor.u32 $0xD0000000, s2;
	s6 =	simm.s32 $0x108;
	_ =	swait.ge @!p0 [sflag:s8], $0x0  }
0x24: {  	s3 =	sadd.s32 $0x88, s3;
	s6 =	simm.s32 @!p1 $0x1082;
	[sflag:s4] =	ssyncset.s32 $0xFFFFF086  }
0x25: {  	[simem:s6], [sflag:s4] =	dma.local [hbm:s3], $0xF7A  }
0x26: {  	[smem:$0x3F9E] =	sst s1;
	(tag) =	ssettag s2;
	_ =	strace s9  }
0x27: {  	s1 =	sld [smem:$0x3FAE]  }
0x28: {  	s2 =	sld [smem:$0x3FAF]  }
0x29: {  	s4 =	sld [smem:$0x3FB1]  }
0x2a: {  	p0 =	seq.s32 s5, $0x0;
	s5 =	sld [smem:$0x3FB2]  }
0x2b: {  	s6 =	sld [smem:$0x3FB3]  }
0x2c: {  	s7 =	sld [smem:$0x3FB4]  }
0x2d: {  	s3 =	simm.s32 $0x108;
	s8 =	sld [smem:$0x3FB5]  }
0x2e: {  	s3 =	simm.s32 @!p0 $0x1082;
	s9 =	sld [smem:$0x3FB6]  }
0x2f: {  	lr =	sadd.s32 s0, s3;
	s0 =	sld [smem:$0x3FAD]  }
0x30: {  	s3 =	sld [smem:$0x3FB0]  }
0x31: {  	[smem:$0x3FB9] =	sst s10  }
0x32: {  	s10 =	sld [smem:$0x3FB7];
	_ =	sdelay $0x3  }
0x33: {  	p0 =	seq.s32 s10, $0x1;
	s10 =	sld [smem:$0x3FB9];
	_ =	sdelay $0x3  }
0x34: {  	[smem:$0x3FB9] =	sst s10  }
0x35: {  	s10 =	sld [smem:$0x3FB8];
	_ =	sdelay $0x3  }
0x36: {  	p1 =	seq.s32 s10, $0x1;
	s10 =	sld [smem:$0x3FB9];
	_ =	sdelay $0x3  }
0x37: {  	[smem:$0x3FB9] =	sst s10  }
0x38: {  	s10 =	sld [smem:$0x3FBA]  }
0x39: {  	_ = 	snop;
	(pc) =	sbr.ind lr, $3  }
0x3a: {  	_ = 	snop  }
0x3b: {  	_ = 	snop  }
0x3c: {  	p2 =	seq.s32 s10, $0x1;
	s10 =	sld [smem:$0x3FB9]  }
0x3d: {  	_ =	shalt  }
0x3e: {  	_ =	shalt  }
0x3f: {  	_ =	shalt  }
0x40: {  	_ =	shalt  }
0x41: {  	_ =	shalt  }
0x42: {  	_ =	shalt  }
0x43: {  	_ =	shalt  }
0x44: {  	_ =	shalt  }
0x45: {  	_ =	shalt  }
0x46: {  	_ =	shalt  }
0x47: {  	_ =	shalt  }
0x48: {  	_ =	shalt  }
0x49: {  	_ =	shalt  }
0x4a: {  	_ =	shalt  }
0x4b: {  	_ =	shalt  }
0x4c: {  	_ =	shalt  }
0x4d: {  	_ =	shalt  }
0x4e: {  	_ =	shalt  }
0x4f: {  	_ =	shalt  }
0x50: {  	_ =	shalt  }
0x51: {  	_ =	shalt  }
0x52: {  	_ =	shalt  }
0x53: {  	_ =	shalt  }
0x54: {  	_ =	shalt  }
0x55: {  	_ =	shalt  }
0x56: {  	_ =	shalt  }
0x57: {  	_ =	shalt  }
0x58: {  	_ =	shalt  }
0x59: {  	_ =	shalt  }
0x5a: {  	_ =	shalt  }
0x5b: {  	_ =	shalt  }
0x5c: {  	_ =	shalt  }
0x5d: {  	_ =	shalt  }
0x5e: {  	_ =	shalt  }
0x5f: {  	_ =	shalt  }
0x60: {  	_ =	shalt  }
0x61: {  	_ =	shalt  }
0x62: {  	_ =	shalt  }
0x63: {  	_ =	shalt  }
0x64: {  	_ =	shalt  }
0x65: {  	_ =	shalt  }
0x66: {  	_ =	shalt  }
0x67: {  	_ =	shalt  }
0x68: {  	_ =	shalt  }
0x69: {  	_ =	shalt  }
0x6a: {  	_ =	shalt  }
0x6b: {  	_ =	shalt  }
0x6c: {  	_ =	shalt  }
0x6d: {  	_ =	shalt  }
0x6e: {  	_ =	shalt  }
0x6f: {  	_ =	shalt  }
0x70: {  	_ =	shalt  }
0x71: {  	_ =	shalt  }
0x72: {  	_ =	shalt  }
0x73: {  	_ =	shalt  }
0x74: {  	_ =	shalt  }
0x75: {  	_ =	shalt  }
0x76: {  	_ =	shalt  }
0x77: {  	_ =	shalt  }
0x78: {  	_ =	shalt  }
0x79: {  	_ =	shalt  }
0x7a: {  	_ =	shalt  }
0x7b: {  	_ =	shalt  }
0x7c: {  	_ =	shalt  }
0x7d: {  	_ =	shalt  }
0x7e: {  	_ =	shalt  }
0x7f: {  	_ =	shalt  }
0x80: {  	_ =	shalt  }
0x81: {  	_ =	shalt  }
0x82: {  	_ =	shalt  }
0x83: {  	_ =	shalt  }
0x84: {  	_ =	shalt  }
0x85: {  	_ =	shalt  }
0x86: {  	_ =	shalt  }
0x87: {  	_ =	shalt  }
.Lfunc_end0:
.L_simem_size_0:
called_computation_lowered:
.L_overlay_start_0:
0x88: {  	s2 =	sld [smem:$0x3FD9]  }
0x89: {  	s3 =	sld [smem:$0x3FFE];
	_ =	sdelay $0x1  }
0x8a: {  	s1 =	srdreg.scid  }
0x8b: {  	s0 =	sand.u32 $0x1, s1  }
0x8c: {  	s17 =	sshll.u32 s0, $0xA;
	s2 =	sadd.s32 s3, s2  }
0x8d: {  	s2 =	sadd.s32 s2, s17  }
0x8e: {  	[smem:$0x3FC5] =	sst s2  }
0x8f: {  	_ = 	snop  }
0x90: {  	s2 =	sld [smem:$0x3FC8]  }
0x91: {  	s18 =	sld [smem:$0x3FC7]  }
0x92: {  	s4 =	sld [smem:$0x3FD0];
	(tm) =	ssettm $0x1  }
0x93: {  	s5 =	sld [smem:$0x3FFB];
	_ =	sdelay $0x3  }
0x94: {  	_ =	strace s5  }
0x95: {  	s5 =	sld [smem:$0x3FFC];
	_ =	sdelay $0x3  }
0x96: {  	_ =	strace s5  }
0x97: {  	s5 =	sld [smem:$0x3FFD];
	_ =	sdelay $0x3  }
0x98: {  	_ =	strace s5  }
0x99: {  	_ =	strace $0x8FFFFFFF  }
0x9a: {  	s19 =	sld [smem:$0x3FDB];
	_ =	sdelay $0x1  }
0x9b: {  	s6 =	simm.s32 $_scs_section_size  }
0x9c: {  	s7 =	simm.s32 $_size__tile_overlayer_lowered;
	s8 =	simm.s32 $_tile_overlayer_lowered  }
0x9d: {  	s22 =	simm.s32 $0x1BFF;
	s21 =	sshll.u32 s8, $0x1;
	s5 =	sadd.s32 s6, s19  }
0x9e: {  	s9 =	simm.s32 $0x0;
	s20 =	sshll.u32 s7, $0x1;
	s7 =	sadd.s32 s21, s5  }
0x9f: {  	[timem:s9], [sflag:s22] =	dma.local [hbm:s7], s20  }
0xa0: {  	_ =	swait.ge [sflag:s22], s20  }
0xa1: {  	s6 =	ssub.s32 $0x0, s20;
	[sflag:s22] =	ssyncset.done $0x0  }
0xa2: {  	[sflag:s22] =	ssyncadd.s32 s6;
	_ =	sdelay $0x1  }
0xa3: {  	s23 =	simm.s32 $0x1B8B  }
0xa4: {  	_ =	swait.ge [sflag:s23], $0x1  }
0xa5: {  	[sflag:s23] =	ssyncset.done $0x0  }
0xa6: {  	s25 =	simm.s32 $0x1B8E;
	s24 =	sld [smem:$0x3FFE];
	[sflag:s23] =	ssyncadd.s32 $0xFFFFFFFF  }
0xa7: {  	s26 =	simm.s32 $execute0_lowered;
	[smem:$0x3FD2] =	sst s25  }
0xa8: {  	s7 =	sshll.u32 s26, $0x1;
	_ =	strace $0x80000046;
	[dreg:$0x1] =	wrdreg $0xFFFFFFFF  }
0xa9: {  	s28 =	simm.s32 $_size_execute0_lowered;
	s5 =	sadd.s32 s5, s7;
	[dreg:$0x0] =	wrdreg $0x0  }
0xaa: {  	s7 =	sshll.u32 s28, $0x1;
	[dreg:$0x2] =	wrdreg s5  }
0xab: {  	[dreg:$0x3] =	wrdreg s7  }
0xac: {  	[dreg:$0x4] =	wrdreg $0xC0  }
0xad: {  	_ =	task [dreg:s9], $0x5FFFF  }
0xae: {  	[dreg:$0x1] =	wrdreg $0xFFFFFFFF  }
0xaf: {  	[dreg:$0x0] =	wrdreg $0x60  }
0xb0: {  	[dreg:$0x2] =	wrdreg s24  }
0xb1: {  	[dreg:$0x3] =	wrdreg s2  }
0xb2: {  	[dreg:$0x4] =	wrdreg s18  }
0xb3: {  	[dreg:$0x5] =	wrdreg s4  }
0xb4: {  	[dreg:$0x6] =	wrdreg $0x9  }
0xb5: {  	_ =	task.clear_ibuf [dreg:s9], $0x7FFFF;
	_ =	strace $0x90000046  }
0xb6: {  	s29 =	simm.s32 $0x9;
	_ =	strace $0x80000048  }
0xb7: {  	_ =	swait.ge [sflag:s29], $0x1  }
0xb8: {  	[sflag:s29] =	ssyncadd.s32 $0xFFFFFFFF  }
0xb9: {  	_ =	strace $0x90000048  }
0xba: {  	_ =	sfence  }
0xbb: {  	s30 =	sld [smem:$0x0];
	_ =	sdelay $0x2  }
0xbc: {  	s31 =	sshll.u32 s1, $0xD;
	s1 =	sshrl.u32 s1, $0x2  }
0xbd: {  	s3 =	sand.u32 $0x4000, s31;
	s1 =	sadd.s32 s1, s30  }
0xbe: {  	s0 =	sor.u32 s3, s0;
	s1 =	sshll.u32 s1, $0x11  }
0xbf: {  	s0 =	sor.u32 s1, s0  }
0xc0: {  	s0 =	sadd.s32 $0x8F2B, s0  }
0xc1: {  	[sflag:s0] =	ssyncadd.remote.s32 $0x1  }
0xc2: {  	_ =	sfence.sel $0xFFFF  }
0xc3: {  	[dreg:$0x0] =	wrdreg $0xFFFFFFFF;
	(pc) =	sbr.abs _section_cstart, $3  }
0xc4: {  	[dreg:$0x1] =	wrdreg $0xFFFFFFFF  }
0xc5: {  	_ =	task.clear_ibuf [dreg:s9], $0x2FFFF;
	_ =	strace $0x9FFFFFFF  }
0xc6: {  	(tm) =	ssettm $0x7FFFFFFF  }
0xc7: {  	_ =	shalt  }
tec
execute0_lowered:
.L_overlay_start_1:
0x0: {  	(tag) =	ssettag $0x1  }
0x1: {  	s1 =	rddreg [dreg:$0x0]  }
0x2: {  	s0 =	rddreg [dreg:$0x1]  }
0x3: {  	s2 =	rddreg [dreg:$0x2]  }
0x4: {  	s4 =	rddreg [dreg:$0x3];
	s3 =	srdreg.scid  }
0x5: {  	s6 =	stileid.u32;
	s5 =	sand.u32 $0x1, s3;
	s3 =	simm.s32 $0x0  }
0x6: {  	s21 =	simm.s32 $0x80;
	s22 =	simm.s32 $0x100;
	[smem:$0x7FF] =	sst s3  }
0x7: {  	s23 =	simm.s32 $0x180;
	_ =	strace $0x80000047;
	[dreg:$0x10] =	wrdreg s21  }
0x8: {  	s24 =	simm.s32 $0x12A00;
	s29 =	simm.s32 $0x1A00;
	[dreg:$0x11] =	wrdreg s22  }
0x9: {  	s6 =	sshll.u32 s6, $0x4;
	s1 =	sadd.s32 $0x400, s1;
	[dreg:$0x12] =	wrdreg s23  }
0xa: {  	s7 =	sshll.u32 s5, $0x3;
	[dreg:$0x13] =	wrdreg s24;
	s21 =	simm.s32 $0x1B200  }
0xb: {  	s6 =	sor.u32 s7, s6;
	s22 =	simm.s32 $0x1BA00;
	[smem:$0x7F8] =	sst s21  }
0xc: {  	s23 =	simm.s32 $0x1C200;
	s24 =	simm.s32 $0x1CA00;
	[smem:$0x7F9] =	sst s22  }
0xd: {  	s7 =	sadd.s32 s1, s6;
	s8 =	sor.u32 $0x100, s6;
	[smem:$0x7FA] =	sst s23  }
0xe: {  	s9 =	smul.u32 $0x300, s6;
	s26 =	sor.u32 $0x200, s6;
	[smem:$0x7FB] =	sst s24  }
0xf: {  	s10 =	smul.u32 $0x1800, s6;
	[dreg:$0x5] =	wrdreg s7;
	s25 =	sadd.s32 s1, s8  }
0x10: {  	s6 =	sor.u32 $0x300, s6;
	s11 =	sadd.s32 s1, s26;
	[dreg:$0x6] =	wrdreg s25  }
0x11: {  	s31 =	simm.s32 $0x2200;
	s1 =	sadd.s32 s1, s6;
	[dreg:$0x7] =	wrdreg s11  }
0x12: {  	s7 =	smul.u32 $0x300, s26;
	s26 =	simm.s32 $0x13200;
	[dreg:$0x8] =	wrdreg s1  }
0x13: {  	s8 =	smul.u32 $0x300, s8;
	s16 =	sadd.s32 s4, s9;
	[dreg:$0x14] =	wrdreg s26  }
0x14: {  	s12 =	sshrl.u32 s10, $0x3;
	s10 =	simm.s32 $0x15200;
	[smem:$0x7F4] =	sst s16  }
0x15: {  	s28 =	simm.s32 $0x4200;
	s26 =	simm.s32 $0x1DA00;
	[dreg:$0x18] =	wrdreg s10  }
0x16: {  	s6 =	smul.u32 $0x300, s6;
	s11 =	sadd.s32 s4, s8;
	[smem:$0x7FD] =	sst s26  }
0x17: {  	s30 =	simm.s32 $0x2;
	s13 =	sadd.s32 s4, s7;
	[dreg:$0x9] =	wrdreg s11  }
0x18: {  	s21 =	simm.s32 $0xC;
	s15 =	sadd.s32 s4, s6;
	[dreg:$0xa] =	wrdreg s13  }
0x19: {  	s22 =	simm.s32 $0x8;
	s18 =	sadd.s32 $0x30C00, s16;
	[dreg:$0xb] =	wrdreg s15  }
0x1a: {  	s23 =	simm.s32 $0xD;
	s19 =	sadd.s32 $0x60C00, s16;
	[dreg:$0xd] =	wrdreg s18  }
0x1b: {  	s24 =	simm.s32 $0x2A00;
	s20 =	sadd.s32 $0x90C00, s16;
	[dreg:$0xe] =	wrdreg s19  }
0x1c: {  	s25 =	ssub.s32 $0x2, s5;
	s6 =	simm.s32 $0x13A00;
	[dreg:$0xf] =	wrdreg s20  }
0x1d: {  	s1 =	simm.s32 $0x6;
	s8 =	simm.s32 $0x14200;
	[dreg:$0x15] =	wrdreg s6  }
0x1e: {  	s14 =	sadd.s32 $0xC00, s12;
	s12 =	simm.s32 $0x16200;
	[dreg:$0x16] =	wrdreg s8  }
0x1f: {  	s5 =	sshrl.u32 s25, $0x1;
	s16 =	simm.s32 $0x18A00;
	[dreg:$0x1a] =	wrdreg s12  }
0x20: {  	s17 =	sadd.s32 s4, s14;
	s4 =	ssub.s32 s25, s5;
	[dreg:$0x1e] =	wrdreg s16  }
0x21: {  	s5 =	sadd.s32 s0, s9;
	s9 =	simm.s32 $0x14A00;
	[dreg:$0xc] =	wrdreg s17  }
0x22: {  	s7 =	sadd.s32 $0x100, s2;
	s11 =	simm.s32 $0x15A00;
	[dreg:$0x17] =	wrdreg s9  }
0x23: {  	s10 =	simm.s32 $0x3;
	s13 =	simm.s32 $0x16A00;
	[dreg:$0x19] =	wrdreg s11  }
0x24: {  	s6 =	sadd.s32 s0, s14;
	s14 =	simm.s32 $0x17200;
	[dreg:$0x1b] =	wrdreg s13  }
0x25: {  	s26 =	simm.s32 $0x3A00;
	s15 =	simm.s32 $0x17A00;
	[dreg:$0x1c] =	wrdreg s14  }
0x26: {  	s8 =	sadd.s32 $0x200, s2;
	s18 =	simm.s32 $0x19A00;
	[dreg:$0x1d] =	wrdreg s15  }
0x27: {  	s19 =	simm.s32 $0x1A200;
	s20 =	simm.s32 $0x1AA00;
	[smem:$0x7F5] =	sst s18  }
0x28: {  	s25 =	simm.s32 $0x1D200;
	s12 =	simm.s32 $0x6200;
	[smem:$0x7F6] =	sst s19  }
0x29: {  	s9 =	smax.u32 s4, $0x1;
	s17 =	simm.s32 $0x19200;
	[smem:$0x7F7] =	sst s20  }
0x2a: {  	v2 =	vlaneseq.u32;
	[smem:$0x7FC] =	sst s25;
	s4 =	simm.s32 $0xB;
	s20 =	simm.s32 $0x7  }
0x2b: {  	vm0 =	vmmov $0xffff;
	v1 =	vshrl.u32 v2, $0x3;
	s11 =	simm.s32 $0x200;
	s19 =	simm.s32 $0xC200;
	s18 =	simm.s32 $0x1200  }
0x2c: {  	v0 =	vand.u32 $0x7, v2;
	v2 =	vor.u32 $0x8, v2;
	v1 =	vmul.u32 $0x8, v1;
	s25 =	simm.s32 $0x3200;
	[dreg:$0x1f] =	wrdreg s17;
	s17 =	simm.s32 $0xA00  }
.LBB2_1:
0x2d: {  	s13 =	rddreg [dreg:$0x5]  }
0x2e: {  	s14 =	rddreg [dreg:$0x6]  }
0x2f: {  	s15 =	rddreg [dreg:$0x10]  }
0x30: {  	[tilespmem:s3], [sflag:$0x10] =	stream.linear.gather [hbm4b:s13+s3], $0x40, $0x38;
	[tilespmem:$0x1E200] =	vst v63  }
0x31: {  	s0 =	rddreg [dreg:$0x8]  }
0x32: {  	[tilespmem:s15], [sflag:$0x11] =	stream.linear.gather [hbm4b:s14+s3], $0x40, $0x38;
	[tilespmem:$0x1E200] =	vst v63  }
0x33: {  	s14 =	rddreg [dreg:$0x7]  }
0x34: {  	s15 =	rddreg [dreg:$0x11]  }
0x35: {  	[tilespmem:s15], [sflag:$0x12] =	stream.linear.gather [hbm4b:s14+s3], $0x40, $0x38;
	[tilespmem:$0x1E200] =	vst v63  }
0x36: {  	s16 =	rddreg [dreg:$0x12]  }
0x37: {  	[tilespmem:s16], [sflag:$0x13] =	stream.linear.gather [hbm4b:s0+s3], $0x40, $0x38;
	[tilespmem:$0x1E200] =	vst v63  }
0x38: {  	_ = 	snop  }
0x39: {  	[tilespmem:s11], [sflag:$0x1] =	stream.linear.gather [hbm4b:s5+s3], $0x6000, $0x38;
	[tilespmem:$0x1E200] =	vst v63  }
0x3a: {  	_ = 	snop  }
0x3b: {  	[tilespmem:s12], [sflag:$0x2] =	stream.linear.gather [hbm4b:s5+s3], $0x6000, $0x38;
	[tilespmem:$0x1E200] =	vst v63  }
0x3c: {  	_ = 	snop  }
0x3d: {  	[tilespmem:s19], [sflag:$0x3] =	stream.linear.gather [hbm4b:s5+s3], $0x6000, $0x38;
	[tilespmem:$0x1E200] =	vst v63  }
0x3e: {  	s0 =	simm.s32 $0x12200  }
0x3f: {  	[tilespmem:s0], [sflag:$0x4] =	stream.linear.gather [hbm4b:s5+s3], $0x6000, $0x38;
	[tilespmem:$0x1E200] =	vst v63  }
0x40: {  	s13 =	simm.s32 $0x18200;
	s15 =	simm.s32 $0x10  }
0x41: {  	[tilespmem:s13], [sflag:$0x5] =	stream.linear.gather [hbm4b:s6+s3], $0x6000, $0x38;
	[tilespmem:$0x1E200] =	vst v63  }
0x42: {  	_ =	swait.ge [sflag:s15], $0x40  }
0x43: {  	[sflag:s15] =	ssyncset.done $0x0  }
0x44: {  	s16 =	simm.s32 $0x11;
	[sflag:s15] =	ssyncadd.s32 $0xFFFFFFC0  }
0x45: {  	_ =	swait.ge [sflag:s16], $0x40  }
0x46: {  	[sflag:s16] =	ssyncset.done $0x0  }
0x47: {  	s0 =	simm.s32 $0x12;
	[sflag:s16] =	ssyncadd.s32 $0xFFFFFFC0  }
0x48: {  	_ =	swait.ge [sflag:s0], $0x40  }
0x49: {  	[sflag:s0] =	ssyncset.done $0x0  }
0x4a: {  	s15 =	simm.s32 $0x13;
	[sflag:s0] =	ssyncadd.s32 $0xFFFFFFC0  }
0x4b: {  	_ =	swait.ge [sflag:s15], $0x40  }
0x4c: {  	[sflag:s15] =	ssyncset.done $0x0  }
0x4d: {  	s0 =	simm.s32 $0x1;
	[sflag:s15] =	ssyncadd.s32 $0xFFFFFFC0  }
0x4e: {  	_ =	swait.ge [sflag:s0], $0x6000  }
0x4f: {  	[sflag:s0] =	ssyncset.done $0x0  }
0x50: {  	[sflag:s0] =	ssyncadd.s32 $0xFFFFA000  }
0x51: {  	v3 =	vld [tilespmem:$0x0];
	_ =	sdelay $0x4  }
0x52: {  	v4 =	vshrl.u32 v3, $0x3  }
0x53: {  	v4 =	vmul.u32 $0x30, v4  }
0x54: {  	v3 =	vand.u32 $0x7, v3  }
0x55: {  	v3 =	vor.u32 v3, v4  }
0x56: {  	v4 =	vperm.xlane v3, v0;
	_ =	sdelay $0x1  }
0x57: {  	v4 =	vadd.s32 v1, v4;
	_ =	sdelay $0x3  }
0x58: {  	v3 =	vperm.xlane v3, v2  }
0x59: {  	[tilespmem:s11], [sflag:$0x6] =	stream.indirect_vreg.gather [hbm4b:s2+s3], $0x80, v4, vm0, $0xb8;
	[tilespmem:$0x1E200] =	vst v63  }
0x5a: {  	v3 =	vadd.s32 v1, v3  }
0x5b: {  	[tilespmem:s17], [sflag:$0x6] =	stream.indirect_vreg.gather [hbm4b:s7+s3], $0x80, v4, vm0, $0xb8;
	[tilespmem:$0x1E200] =	vst v63  }
0x5c: {  	_ = 	snop  }
0x5d: {  	[tilespmem:s18], [sflag:$0x6] =	stream.indirect_vreg.gather [hbm4b:s8+s3], $0x80, v4, vm0, $0xb8;
	[tilespmem:$0x1E200] =	vst v63  }
0x5e: {  	_ = 	snop  }
0x5f: {  	[tilespmem:s29], [sflag:$0x6] =	stream.indirect_vreg.gather [hbm4b:s2+s3], $0x80, v3, vm0, $0xb8;
	[tilespmem:$0x1E200] =	vst v63  }
0x60: {  	_ = 	snop  }
0x61: {  	[tilespmem:s31], [sflag:$0x6] =	stream.indirect_vreg.gather [hbm4b:s7+s3], $0x80, v3, vm0, $0xb8;
	[tilespmem:$0x1E200] =	vst v63  }
0x62: {  	_ = 	snop  }
0x63: {  	[tilespmem:s24], [sflag:$0x6] =	stream.indirect_vreg.gather [hbm4b:s8+s3], $0x80, v3, vm0, $0xb8;
	[tilespmem:$0x1E200] =	vst v63  }
0x64: {  	v3 =	vld [tilespmem:$0x10];
	_ =	sdelay $0x4  }
0x65: {  	v49 =	vshrl.u32 v3, $0x3  }
0x66: {  	v4 =	vmul.u32 $0x30, v49  }
0x67: {  	v3 =	vand.u32 $0x7, v3  }
0x68: {  	v3 =	vor.u32 v3, v4  }
0x69: {  	v4 =	vperm.xlane v3, v0;
	_ =	sdelay $0x1  }
0x6a: {  	v4 =	vadd.s32 v1, v4;
	_ =	sdelay $0x3  }
0x6b: {  	v3 =	vperm.xlane v3, v2  }
0x6c: {  	[tilespmem:s25], [sflag:$0x6] =	stream.indirect_vreg.gather [hbm4b:s2+s3], $0x80, v4, vm0, $0xb8;
	[tilespmem:$0x1E200] =	vst v63  }
0x6d: {  	v3 =	vadd.s32 v1, v3  }
0x6e: {  	[tilespmem:s26], [sflag:$0x6] =	stream.indirect_vreg.gather [hbm4b:s7+s3], $0x80, v4, vm0, $0xb8;
	[tilespmem:$0x1E200] =	vst v63  }
0x6f: {  	_ = 	snop  }
0x70: {  	[tilespmem:s28], [sflag:$0x6] =	stream.indirect_vreg.gather [hbm4b:s8+s3], $0x80, v4, vm0, $0xb8;
	[tilespmem:$0x1E200] =	vst v63  }
0x71: {  	s16 =	simm.s32 $0x4A00  }
0x72: {  	[tilespmem:s16], [sflag:$0x6] =	stream.indirect_vreg.gather [hbm4b:s2+s3], $0x80, v3, vm0, $0xb8;
	[tilespmem:$0x1E200] =	vst v63  }
0x73: {  	s15 =	simm.s32 $0x5200  }
0x74: {  	[tilespmem:s15], [sflag:$0x6] =	stream.indirect_vreg.gather [hbm4b:s7+s3], $0x80, v3, vm0, $0xb8;
	[tilespmem:$0x1E200] =	vst v63  }
0x75: {  	s16 =	simm.s32 $0x5A00  }
0x76: {  	[tilespmem:s16], [sflag:$0x6] =	stream.indirect_vreg.gather [hbm4b:s8+s3], $0x80, v3, vm0, $0xb8;
	[tilespmem:$0x1E200] =	vst v63  }
0x77: {  	_ =	swait.ge [sflag:s30], $0x6000  }
0x78: {  	[sflag:s30] =	ssyncset.done $0x0  }
0x79: {  	[sflag:s30] =	ssyncadd.s32 $0xFFFFA000  }
0x7a: {  	v3 =	vld [tilespmem:$0x80];
	_ =	sdelay $0x4  }
0x7b: {  	v50 =	vshrl.u32 v3, $0x3  }
0x7c: {  	v4 =	vmul.u32 $0x30, v50  }
0x7d: {  	v3 =	vand.u32 $0x7, v3  }
0x7e: {  	v3 =	vor.u32 v3, v4  }
0x7f: {  	v4 =	vperm.xlane v3, v0;
	_ =	sdelay $0x1  }
0x80: {  	v4 =	vadd.s32 v1, v4;
	_ =	sdelay $0x3  }
0x81: {  	v3 =	vperm.xlane v3, v2  }
0x82: {  	[tilespmem:s12], [sflag:$0x7] =	stream.indirect_vreg.gather [hbm4b:s2+s3], $0x80, v4, vm0, $0xb8;
	[tilespmem:$0x1E200] =	vst v63  }
0x83: {  	s13 =	simm.s32 $0x6A00;
	v3 =	vadd.s32 v1, v3  }
0x84: {  	[tilespmem:s13], [sflag:$0x7] =	stream.indirect_vreg.gather [hbm4b:s7+s3], $0x80, v4, vm0, $0xb8;
	[tilespmem:$0x1E200] =	vst v63  }
0x85: {  	s13 =	simm.s32 $0x7200  }
0x86: {  	[tilespmem:s13], [sflag:$0x7] =	stream.indirect_vreg.gather [hbm4b:s8+s3], $0x80, v4, vm0, $0xb8;
	[tilespmem:$0x1E200] =	vst v63  }
0x87: {  	s13 =	simm.s32 $0x7A00  }
0x88: {  	[tilespmem:s13], [sflag:$0x7] =	stream.indirect_vreg.gather [hbm4b:s2+s3], $0x80, v3, vm0, $0xb8;
	[tilespmem:$0x1E200] =	vst v63  }
0x89: {  	s13 =	simm.s32 $0x8200  }
0x8a: {  	[tilespmem:s13], [sflag:$0x7] =	stream.indirect_vreg.gather [hbm4b:s7+s3], $0x80, v3, vm0, $0xb8;
	[tilespmem:$0x1E200] =	vst v63  }
0x8b: {  	s13 =	simm.s32 $0x8A00  }
0x8c: {  	[tilespmem:s13], [sflag:$0x7] =	stream.indirect_vreg.gather [hbm4b:s8+s3], $0x80, v3, vm0, $0xb8;
	[tilespmem:$0x1E200] =	vst v63  }
0x8d: {  	v3 =	vld [tilespmem:$0x90];
	_ =	sdelay $0x4  }
0x8e: {  	v51 =	vshrl.u32 v3, $0x3  }
0x8f: {  	v4 =	vmul.u32 $0x30, v51  }
0x90: {  	v3 =	vand.u32 $0x7, v3  }
0x91: {  	v3 =	vor.u32 v3, v4  }
0x92: {  	v4 =	vperm.xlane v3, v0;
	_ =	sdelay $0x1  }
0x93: {  	v4 =	vadd.s32 v1, v4;
	_ =	sdelay $0x3  }
0x94: {  	s13 =	simm.s32 $0x9200;
	v3 =	vperm.xlane v3, v2  }
0x95: {  	[tilespmem:s13], [sflag:$0x7] =	stream.indirect_vreg.gather [hbm4b:s2+s3], $0x80, v4, vm0, $0xb8;
	[tilespmem:$0x1E200] =	vst v63  }
0x96: {  	v3 =	vadd.s32 v1, v3;
	s13 =	simm.s32 $0x9A00  }
0x97: {  	[tilespmem:s13], [sflag:$0x7] =	stream.indirect_vreg.gather [hbm4b:s7+s3], $0x80, v4, vm0, $0xb8;
	[tilespmem:$0x1E200] =	vst v63  }
0x98: {  	s13 =	simm.s32 $0xA200  }
0x99: {  	[tilespmem:s13], [sflag:$0x7] =	stream.indirect_vreg.gather [hbm4b:s8+s3], $0x80, v4, vm0, $0xb8;
	[tilespmem:$0x1E200] =	vst v63  }
0x9a: {  	s13 =	simm.s32 $0xAA00  }
0x9b: {  	[tilespmem:s13], [sflag:$0x7] =	stream.indirect_vreg.gather [hbm4b:s2+s3], $0x80, v3, vm0, $0xb8;
	[tilespmem:$0x1E200] =	vst v63  }
0x9c: {  	s13 =	simm.s32 $0xB200  }
0x9d: {  	[tilespmem:s13], [sflag:$0x7] =	stream.indirect_vreg.gather [hbm4b:s7+s3], $0x80, v3, vm0, $0xb8;
	[tilespmem:$0x1E200] =	vst v63  }
0x9e: {  	s13 =	simm.s32 $0xBA00  }
0x9f: {  	[tilespmem:s13], [sflag:$0x7] =	stream.indirect_vreg.gather [hbm4b:s8+s3], $0x80, v3, vm0, $0xb8;
	[tilespmem:$0x1E200] =	vst v63  }
0xa0: {  	_ =	swait.ge [sflag:s10], $0x6000  }
0xa1: {  	[sflag:s10] =	ssyncset.done $0x0  }
0xa2: {  	[sflag:s10] =	ssyncadd.s32 $0xFFFFA000  }
0xa3: {  	v3 =	vld [tilespmem:$0x100];
	_ =	sdelay $0x4  }
0xa4: {  	v52 =	vshrl.u32 v3, $0x3  }
0xa5: {  	v4 =	vmul.u32 $0x30, v52  }
0xa6: {  	v3 =	vand.u32 $0x7, v3  }
0xa7: {  	v3 =	vor.u32 v3, v4  }
0xa8: {  	v4 =	vperm.xlane v3, v0;
	_ =	sdelay $0x1  }
0xa9: {  	v4 =	vadd.s32 v1, v4;
	_ =	sdelay $0x3  }
0xaa: {  	v3 =	vperm.xlane v3, v2  }
0xab: {  	[tilespmem:s19], [sflag:$0x8] =	stream.indirect_vreg.gather [hbm4b:s2+s3], $0x80, v4, vm0, $0xb8;
	[tilespmem:$0x1E200] =	vst v63  }
0xac: {  	s13 =	simm.s32 $0xCA00;
	v3 =	vadd.s32 v1, v3  }
0xad: {  	[tilespmem:s13], [sflag:$0x8] =	stream.indirect_vreg.gather [hbm4b:s7+s3], $0x80, v4, vm0, $0xb8;
	[tilespmem:$0x1E200] =	vst v63  }
0xae: {  	s13 =	simm.s32 $0xD200  }
0xaf: {  	[tilespmem:s13], [sflag:$0x8] =	stream.indirect_vreg.gather [hbm4b:s8+s3], $0x80, v4, vm0, $0xb8;
	[tilespmem:$0x1E200] =	vst v63  }
0xb0: {  	s13 =	simm.s32 $0xDA00  }
0xb1: {  	[tilespmem:s13], [sflag:$0x8] =	stream.indirect_vreg.gather [hbm4b:s2+s3], $0x80, v3, vm0, $0xb8;
	[tilespmem:$0x1E200] =	vst v63  }
0xb2: {  	s13 =	simm.s32 $0xE200  }
0xb3: {  	[tilespmem:s13], [sflag:$0x8] =	stream.indirect_vreg.gather [hbm4b:s7+s3], $0x80, v3, vm0, $0xb8;
	[tilespmem:$0x1E200] =	vst v63  }
0xb4: {  	s13 =	simm.s32 $0xEA00  }
0xb5: {  	[tilespmem:s13], [sflag:$0x8] =	stream.indirect_vreg.gather [hbm4b:s8+s3], $0x80, v3, vm0, $0xb8;
	[tilespmem:$0x1E200] =	vst v63  }
0xb6: {  	v3 =	vld [tilespmem:$0x110];
	_ =	sdelay $0x4  }
0xb7: {  	v53 =	vshrl.u32 v3, $0x3  }
0xb8: {  	v4 =	vmul.u32 $0x30, v53  }
0xb9: {  	v3 =	vand.u32 $0x7, v3  }
0xba: {  	v3 =	vor.u32 v3, v4  }
0xbb: {  	v4 =	vperm.xlane v3, v0;
	_ =	sdelay $0x1  }
0xbc: {  	v4 =	vadd.s32 v1, v4;
	_ =	sdelay $0x3  }
0xbd: {  	s13 =	simm.s32 $0xF200;
	v3 =	vperm.xlane v3, v2  }
0xbe: {  	[tilespmem:s13], [sflag:$0x8] =	stream.indirect_vreg.gather [hbm4b:s2+s3], $0x80, v4, vm0, $0xb8;
	[tilespmem:$0x1E200] =	vst v63  }
0xbf: {  	v3 =	vadd.s32 v1, v3;
	s13 =	simm.s32 $0xFA00  }
0xc0: {  	[tilespmem:s13], [sflag:$0x8] =	stream.indirect_vreg.gather [hbm4b:s7+s3], $0x80, v4, vm0, $0xb8;
	[tilespmem:$0x1E200] =	vst v63  }
0xc1: {  	s13 =	simm.s32 $0x10200  }
0xc2: {  	[tilespmem:s13], [sflag:$0x8] =	stream.indirect_vreg.gather [hbm4b:s8+s3], $0x80, v4, vm0, $0xb8;
	[tilespmem:$0x1E200] =	vst v63  }
0xc3: {  	s13 =	simm.s32 $0x10A00  }
0xc4: {  	[tilespmem:s13], [sflag:$0x8] =	stream.indirect_vreg.gather [hbm4b:s2+s3], $0x80, v3, vm0, $0xb8;
	[tilespmem:$0x1E200] =	vst v63  }
0xc5: {  	s13 =	simm.s32 $0x11200  }
0xc6: {  	[tilespmem:s13], [sflag:$0x8] =	stream.indirect_vreg.gather [hbm4b:s7+s3], $0x80, v3, vm0, $0xb8;
	[tilespmem:$0x1E200] =	vst v63  }
0xc7: {  	s13 =	simm.s32 $0x11A00  }
0xc8: {  	[tilespmem:s13], [sflag:$0x8] =	stream.indirect_vreg.gather [hbm4b:s8+s3], $0x80, v3, vm0, $0xb8;
	[tilespmem:$0x1E200] =	vst v63  }
0xc9: {  	s13 =	simm.s32 $0x4  }
0xca: {  	_ =	swait.ge [sflag:s13], $0x6000  }
0xcb: {  	[sflag:s13] =	ssyncset.done $0x0  }
0xcc: {  	[sflag:s13] =	ssyncadd.s32 $0xFFFFA000  }
0xcd: {  	v3 =	vld [tilespmem:$0x180];
	_ =	sdelay $0x4  }
0xce: {  	v54 =	vshrl.u32 v3, $0x3  }
0xcf: {  	v4 =	vmul.u32 $0x30, v54  }
0xd0: {  	v3 =	vand.u32 $0x7, v3  }
0xd1: {  	v3 =	vor.u32 v3, v4  }
0xd2: {  	v4 =	vperm.xlane v3, v0;
	_ =	sdelay $0x1  }
0xd3: {  	v4 =	vadd.s32 v1, v4;
	_ =	sdelay $0x3  }
0xd4: {  	s14 =	simm.s32 $0x12200;
	v3 =	vperm.xlane v3, v2  }
0xd5: {  	[tilespmem:s14], [sflag:$0x9] =	stream.indirect_vreg.gather [hbm4b:s2+s3], $0x80, v4, vm0, $0xb8;
	[tilespmem:$0x1E200] =	vst v63  }
0xd6: {  	s13 =	rddreg [dreg:$0x13];
	v3 =	vadd.s32 v1, v3  }
0xd7: {  	[tilespmem:s13], [sflag:$0x9] =	stream.indirect_vreg.gather [hbm4b:s7+s3], $0x80, v4, vm0, $0xb8;
	[tilespmem:$0x1E200] =	vst v63  }
0xd8: {  	s14 =	rddreg [dreg:$0x14]  }
0xd9: {  	[tilespmem:s14], [sflag:$0x9] =	stream.indirect_vreg.gather [hbm4b:s8+s3], $0x80, v4, vm0, $0xb8;
	[tilespmem:$0x1E200] =	vst v63  }
0xda: {  	s13 =	rddreg [dreg:$0x15]  }
0xdb: {  	[tilespmem:s13], [sflag:$0x9] =	stream.indirect_vreg.gather [hbm4b:s2+s3], $0x80, v3, vm0, $0xb8;
	[tilespmem:$0x1E200] =	vst v63  }
0xdc: {  	s14 =	rddreg [dreg:$0x16]  }
0xdd: {  	[tilespmem:s14], [sflag:$0x9] =	stream.indirect_vreg.gather [hbm4b:s7+s3], $0x80, v3, vm0, $0xb8;
	[tilespmem:$0x1E200] =	vst v63  }
0xde: {  	s13 =	rddreg [dreg:$0x17]  }
0xdf: {  	[tilespmem:s13], [sflag:$0x9] =	stream.indirect_vreg.gather [hbm4b:s8+s3], $0x80, v3, vm0, $0xb8;
	[tilespmem:$0x1E200] =	vst v63  }
0xe0: {  	v3 =	vld [tilespmem:$0x190];
	_ =	sdelay $0x4  }
0xe1: {  	v55 =	vshrl.u32 v3, $0x3  }
0xe2: {  	v4 =	vmul.u32 $0x30, v55  }
0xe3: {  	v3 =	vand.u32 $0x7, v3  }
0xe4: {  	v3 =	vor.u32 v3, v4  }
0xe5: {  	v4 =	vperm.xlane v3, v0;
	_ =	sdelay $0x1  }
0xe6: {  	v4 =	vadd.s32 v1, v4;
	_ =	sdelay $0x3  }
0xe7: {  	s13 =	rddreg [dreg:$0x18];
	v3 =	vperm.xlane v3, v2  }
0xe8: {  	[tilespmem:s13], [sflag:$0x9] =	stream.indirect_vreg.gather [hbm4b:s2+s3], $0x80, v4, vm0, $0xb8;
	[tilespmem:$0x1E200] =	vst v63  }
0xe9: {  	s14 =	rddreg [dreg:$0x19];
	v3 =	vadd.s32 v1, v3  }
0xea: {  	[tilespmem:s14], [sflag:$0x9] =	stream.indirect_vreg.gather [hbm4b:s7+s3], $0x80, v4, vm0, $0xb8;
	[tilespmem:$0x1E200] =	vst v63  }
0xeb: {  	s13 =	rddreg [dreg:$0x1a]  }
0xec: {  	[tilespmem:s13], [sflag:$0x9] =	stream.indirect_vreg.gather [hbm4b:s8+s3], $0x80, v4, vm0, $0xb8;
	[tilespmem:$0x1E200] =	vst v63  }
0xed: {  	s14 =	rddreg [dreg:$0x1b]  }
0xee: {  	[tilespmem:s14], [sflag:$0x9] =	stream.indirect_vreg.gather [hbm4b:s2+s3], $0x80, v3, vm0, $0xb8;
	[tilespmem:$0x1E200] =	vst v63  }
0xef: {  	s13 =	rddreg [dreg:$0x1c]  }
0xf0: {  	[tilespmem:s13], [sflag:$0x9] =	stream.indirect_vreg.gather [hbm4b:s7+s3], $0x80, v3, vm0, $0xb8;
	[tilespmem:$0x1E200] =	vst v63  }
0xf1: {  	s14 =	rddreg [dreg:$0x1d]  }
0xf2: {  	[tilespmem:s14], [sflag:$0x9] =	stream.indirect_vreg.gather [hbm4b:s8+s3], $0x80, v3, vm0, $0xb8;
	[tilespmem:$0x1E200] =	vst v63  }
0xf3: {  	s14 =	simm.s32 $0x5  }
0xf4: {  	_ =	swait.ge [sflag:s14], $0x6000  }
0xf5: {  	[sflag:s14] =	ssyncset.done $0x0  }
0xf6: {  	[sflag:s14] =	ssyncadd.s32 $0xFFFFA000  }
0xf7: {  	v3 =	vld [tilespmem:$0x20];
	_ =	sdelay $0x4  }
0xf8: {  	v56 =	vshrl.u32 v3, $0x3  }
0xf9: {  	v4 =	vmul.u32 $0x30, v56  }
0xfa: {  	v3 =	vand.u32 $0x7, v3  }
0xfb: {  	v3 =	vor.u32 v3, v4  }
0xfc: {  	v4 =	vperm.xlane v3, v0;
	_ =	sdelay $0x1  }
0xfd: {  	v4 =	vadd.s32 v1, v4;
	_ =	sdelay $0x3  }
0xfe: {  	s13 =	rddreg [dreg:$0x1e];
	s14 =	simm.s32 $0x18200;
	v3 =	vperm.xlane v3, v2  }
0xff: {  	[tilespmem:s14], [sflag:$0xA] =	stream.indirect_vreg.gather [hbm4b:s2+s3], $0x80, v4, vm0, $0xb8;
	[tilespmem:$0x1E200] =	vst v63  }
0x100: {  	v3 =	vadd.s32 v1, v3;
	s14 =	rddreg [dreg:$0x1f]  }
0x101: {  	[tilespmem:s13], [sflag:$0xA] =	stream.indirect_vreg.gather [hbm4b:s7+s3], $0x80, v4, vm0, $0xb8;
	[tilespmem:$0x1E200] =	vst v63  }
0x102: {  	s13 =	sld [smem:$0x7F5]  }
0x103: {  	[tilespmem:s14], [sflag:$0xA] =	stream.indirect_vreg.gather [hbm4b:s8+s3], $0x80, v4, vm0, $0xb8;
	[tilespmem:$0x1E200] =	vst v63  }
0x104: {  	s14 =	sld [smem:$0x7F6]  }
0x105: {  	[tilespmem:s13], [sflag:$0xA] =	stream.indirect_vreg.gather [hbm4b:s2+s3], $0x80, v3, vm0, $0xb8;
	[tilespmem:$0x1E200] =	vst v63  }
0x106: {  	s13 =	sld [smem:$0x7F7]  }
0x107: {  	[tilespmem:s14], [sflag:$0xA] =	stream.indirect_vreg.gather [hbm4b:s7+s3], $0x80, v3, vm0, $0xb8;
	[tilespmem:$0x1E200] =	vst v63  }
0x108: {  	_ = 	snop  }
0x109: {  	[tilespmem:s13], [sflag:$0xA] =	stream.indirect_vreg.gather [hbm4b:s8+s3], $0x80, v3, vm0, $0xb8;
	[tilespmem:$0x1E200] =	vst v63  }
0x10a: {  	v3 =	vld [tilespmem:$0x30];
	_ =	sdelay $0x4  }
0x10b: {  	v57 =	vshrl.u32 v3, $0x3  }
0x10c: {  	v4 =	vmul.u32 $0x30, v57  }
0x10d: {  	v3 =	vand.u32 $0x7, v3  }
0x10e: {  	v3 =	vor.u32 v3, v4  }
0x10f: {  	v4 =	vperm.xlane v3, v0;
	_ =	sdelay $0x1  }
0x110: {  	v4 =	vadd.s32 v1, v4;
	_ =	sdelay $0x1  }
0x111: {  	s13 =	sld [smem:$0x7F8];
	_ =	sdelay $0x1  }
0x112: {  	s14 =	sld [smem:$0x7F9];
	v3 =	vperm.xlane v3, v2  }
0x113: {  	[tilespmem:s13], [sflag:$0xA] =	stream.indirect_vreg.gather [hbm4b:s2+s3], $0x80, v4, vm0, $0xb8;
	[tilespmem:$0x1E200] =	vst v63  }
0x114: {  	v3 =	vadd.s32 v1, v3;
	s13 =	sld [smem:$0x7FA]  }
0x115: {  	[tilespmem:s14], [sflag:$0xA] =	stream.indirect_vreg.gather [hbm4b:s7+s3], $0x80, v4, vm0, $0xb8;
	[tilespmem:$0x1E200] =	vst v63  }
0x116: {  	s14 =	sld [smem:$0x7FB]  }
0x117: {  	[tilespmem:s13], [sflag:$0xA] =	stream.indirect_vreg.gather [hbm4b:s8+s3], $0x80, v4, vm0, $0xb8;
	[tilespmem:$0x1E200] =	vst v63  }
0x118: {  	s13 =	sld [smem:$0x7FC]  }
0x119: {  	[tilespmem:s14], [sflag:$0xA] =	stream.indirect_vreg.gather [hbm4b:s2+s3], $0x80, v3, vm0, $0xb8;
	[tilespmem:$0x1E200] =	vst v63  }
0x11a: {  	s14 =	sld [smem:$0x7FD]  }
0x11b: {  	[tilespmem:s13], [sflag:$0xA] =	stream.indirect_vreg.gather [hbm4b:s7+s3], $0x80, v3, vm0, $0xb8;
	[tilespmem:$0x1E200] =	vst v63  }
0x11c: {  	_ = 	snop  }
0x11d: {  	[tilespmem:s14], [sflag:$0xA] =	stream.indirect_vreg.gather [hbm4b:s8+s3], $0x80, v3, vm0, $0xb8;
	[tilespmem:$0x1E200] =	vst v63  }
0x11e: {  	_ =	swait.ge [sflag:s1], $0x6000  }
0x11f: {  	s14 =	sld [smem:$0x7F4]  }
0x120: {  	[sflag:s1] =	ssyncset.done $0x0  }
0x121: {  	[sflag:s1] =	ssyncadd.s32 $0xFFFFA000  }
0x122: {  	[hbm4b:s14+s3] =	stream.linear.scatter [tilespmem:s11], [sflag:$0xB], $0x6000, $0x38;
	[tilespmem:$0x1E200] =	vst v63  }
0x123: {  	_ =	swait.ge [sflag:s4], $0x6000  }
0x124: {  	[sflag:s4] =	ssyncset.done $0x0  }
0x125: {  	[sflag:s4] =	ssyncadd.s32 $0xFFFFA000  }
0x126: {  	[tilespmem:s11], [sflag:$0x1] =	stream.linear.gather [hbm4b:s6+s3], $0x6000, $0x38;
	[tilespmem:$0x1E200] =	vst v63  }
0x127: {  	_ =	swait.ge [sflag:s0], $0x6000  }
0x128: {  	[sflag:s0] =	ssyncset.done $0x0  }
0x129: {  	[sflag:s0] =	ssyncadd.s32 $0xFFFFA000  }
0x12a: {  	v3 =	vld [tilespmem:$0xA0];
	_ =	sdelay $0x4  }
0x12b: {  	v58 =	vshrl.u32 v3, $0x3  }
0x12c: {  	v4 =	vmul.u32 $0x30, v58  }
0x12d: {  	v3 =	vand.u32 $0x7, v3  }
0x12e: {  	v3 =	vor.u32 v3, v4  }
0x12f: {  	v4 =	vperm.xlane v3, v0;
	_ =	sdelay $0x1  }
0x130: {  	v4 =	vadd.s32 v1, v4;
	_ =	sdelay $0x3  }
0x131: {  	v3 =	vperm.xlane v3, v2  }
0x132: {  	[tilespmem:s11], [sflag:$0x6] =	stream.indirect_vreg.gather [hbm4b:s2+s3], $0x80, v4, vm0, $0xb8;
	[tilespmem:$0x1E200] =	vst v63  }
0x133: {  	v3 =	vadd.s32 v1, v3  }
0x134: {  	[tilespmem:s17], [sflag:$0x6] =	stream.indirect_vreg.gather [hbm4b:s7+s3], $0x80, v4, vm0, $0xb8;
	[tilespmem:$0x1E200] =	vst v63  }
0x135: {  	_ = 	snop  }
0x136: {  	[tilespmem:s18], [sflag:$0x6] =	stream.indirect_vreg.gather [hbm4b:s8+s3], $0x80, v4, vm0, $0xb8;
	[tilespmem:$0x1E200] =	vst v63  }
0x137: {  	_ = 	snop  }
0x138: {  	[tilespmem:s29], [sflag:$0x6] =	stream.indirect_vreg.gather [hbm4b:s2+s3], $0x80, v3, vm0, $0xb8;
	[tilespmem:$0x1E200] =	vst v63  }
0x139: {  	_ = 	snop  }
0x13a: {  	[tilespmem:s31], [sflag:$0x6] =	stream.indirect_vreg.gather [hbm4b:s7+s3], $0x80, v3, vm0, $0xb8;
	[tilespmem:$0x1E200] =	vst v63  }
0x13b: {  	_ = 	snop  }
0x13c: {  	[tilespmem:s24], [sflag:$0x6] =	stream.indirect_vreg.gather [hbm4b:s8+s3], $0x80, v3, vm0, $0xb8;
	[tilespmem:$0x1E200] =	vst v63  }
0x13d: {  	v3 =	vld [tilespmem:$0xB0];
	_ =	sdelay $0x4  }
0x13e: {  	v59 =	vshrl.u32 v3, $0x3  }
0x13f: {  	v4 =	vmul.u32 $0x30, v59  }
0x140: {  	v3 =	vand.u32 $0x7, v3  }
0x141: {  	v3 =	vor.u32 v3, v4  }
0x142: {  	v4 =	vperm.xlane v3, v0;
	_ =	sdelay $0x1  }
0x143: {  	v4 =	vadd.s32 v1, v4;
	_ =	sdelay $0x3  }
0x144: {  	v3 =	vperm.xlane v3, v2  }
0x145: {  	[tilespmem:s25], [sflag:$0x6] =	stream.indirect_vreg.gather [hbm4b:s2+s3], $0x80, v4, vm0, $0xb8;
	[tilespmem:$0x1E200] =	vst v63  }
0x146: {  	v3 =	vadd.s32 v1, v3  }
0x147: {  	[tilespmem:s26], [sflag:$0x6] =	stream.indirect_vreg.gather [hbm4b:s7+s3], $0x80, v4, vm0, $0xb8;
	[tilespmem:$0x1E200] =	vst v63  }
0x148: {  	_ = 	snop  }
0x149: {  	[tilespmem:s28], [sflag:$0x6] =	stream.indirect_vreg.gather [hbm4b:s8+s3], $0x80, v4, vm0, $0xb8;
	[tilespmem:$0x1E200] =	vst v63  }
0x14a: {  	s13 =	simm.s32 $0x4A00  }
0x14b: {  	[tilespmem:s13], [sflag:$0x6] =	stream.indirect_vreg.gather [hbm4b:s2+s3], $0x80, v3, vm0, $0xb8;
	[tilespmem:$0x1E200] =	vst v63  }
0x14c: {  	_ = 	snop  }
0x14d: {  	[tilespmem:s15], [sflag:$0x6] =	stream.indirect_vreg.gather [hbm4b:s7+s3], $0x80, v3, vm0, $0xb8;
	[tilespmem:$0x1E200] =	vst v63  }
0x14e: {  	_ = 	snop  }
0x14f: {  	[tilespmem:s16], [sflag:$0x6] =	stream.indirect_vreg.gather [hbm4b:s8+s3], $0x80, v3, vm0, $0xb8;
	[tilespmem:$0x1E200] =	vst v63  }
0x150: {  	_ =	swait.ge [sflag:s20], $0x6000  }
0x151: {  	[sflag:s20] =	ssyncset.done $0x0  }
0x152: {  	s14 =	rddreg [dreg:$0x9];
	[sflag:s20] =	ssyncadd.s32 $0xFFFFA000  }
0x153: {  	[hbm4b:s14+s3] =	stream.linear.scatter [tilespmem:s12], [sflag:$0xC], $0x6000, $0x38;
	[tilespmem:$0x1E200] =	vst v63  }
0x154: {  	_ =	swait.ge [sflag:s21], $0x6000  }
0x155: {  	[sflag:s21] =	ssyncset.done $0x0  }
0x156: {  	[sflag:s21] =	ssyncadd.s32 $0xFFFFA000  }
0x157: {  	[tilespmem:s12], [sflag:$0x2] =	stream.linear.gather [hbm4b:s6+s3], $0x6000, $0x38;
	[tilespmem:$0x1E200] =	vst v63  }
0x158: {  	_ =	swait.ge [sflag:s30], $0x6000  }
0x159: {  	[sflag:s30] =	ssyncset.done $0x0  }
0x15a: {  	[sflag:s30] =	ssyncadd.s32 $0xFFFFA000  }
0x15b: {  	v3 =	vld [tilespmem:$0x120];
	_ =	sdelay $0x4  }
0x15c: {  	v60 =	vshrl.u32 v3, $0x3  }
0x15d: {  	v4 =	vmul.u32 $0x30, v60  }
0x15e: {  	v3 =	vand.u32 $0x7, v3  }
0x15f: {  	v3 =	vor.u32 v3, v4  }
0x160: {  	v4 =	vperm.xlane v3, v0;
	_ =	sdelay $0x1  }
0x161: {  	v4 =	vadd.s32 v1, v4;
	_ =	sdelay $0x3  }
0x162: {  	v3 =	vperm.xlane v3, v2  }
0x163: {  	[tilespmem:s12], [sflag:$0x7] =	stream.indirect_vreg.gather [hbm4b:s2+s3], $0x80, v4, vm0, $0xb8;
	[tilespmem:$0x1E200] =	vst v63  }
0x164: {  	s15 =	simm.s32 $0x6A00;
	v3 =	vadd.s32 v1, v3  }
0x165: {  	[tilespmem:s15], [sflag:$0x7] =	stream.indirect_vreg.gather [hbm4b:s7+s3], $0x80, v4, vm0, $0xb8;
	[tilespmem:$0x1E200] =	vst v63  }
0x166: {  	s16 =	simm.s32 $0x7200  }
0x167: {  	[tilespmem:s16], [sflag:$0x7] =	stream.indirect_vreg.gather [hbm4b:s8+s3], $0x80, v4, vm0, $0xb8;
	[tilespmem:$0x1E200] =	vst v63  }
0x168: {  	s13 =	simm.s32 $0x7A00  }
0x169: {  	[tilespmem:s13], [sflag:$0x7] =	stream.indirect_vreg.gather [hbm4b:s2+s3], $0x80, v3, vm0, $0xb8;
	[tilespmem:$0x1E200] =	vst v63  }
0x16a: {  	s14 =	simm.s32 $0x8200  }
0x16b: {  	[tilespmem:s14], [sflag:$0x7] =	stream.indirect_vreg.gather [hbm4b:s7+s3], $0x80, v3, vm0, $0xb8;
	[tilespmem:$0x1E200] =	vst v63  }
0x16c: {  	s15 =	simm.s32 $0x8A00  }
0x16d: {  	[tilespmem:s15], [sflag:$0x7] =	stream.indirect_vreg.gather [hbm4b:s8+s3], $0x80, v3, vm0, $0xb8;
	[tilespmem:$0x1E200] =	vst v63  }
0x16e: {  	v3 =	vld [tilespmem:$0x130];
	_ =	sdelay $0x4  }
0x16f: {  	v61 =	vshrl.u32 v3, $0x3  }
0x170: {  	v4 =	vmul.u32 $0x30, v61  }
0x171: {  	v3 =	vand.u32 $0x7, v3  }
0x172: {  	v3 =	vor.u32 v3, v4  }
0x173: {  	v4 =	vperm.xlane v3, v0;
	_ =	sdelay $0x1  }
0x174: {  	v4 =	vadd.s32 v1, v4;
	_ =	sdelay $0x3  }
0x175: {  	s16 =	simm.s32 $0x9200;
	v3 =	vperm.xlane v3, v2  }
0x176: {  	[tilespmem:s16], [sflag:$0x7] =	stream.indirect_vreg.gather [hbm4b:s2+s3], $0x80, v4, vm0, $0xb8;
	[tilespmem:$0x1E200] =	vst v63  }
0x177: {  	s13 =	simm.s32 $0x9A00;
	v3 =	vadd.s32 v1, v3  }
0x178: {  	[tilespmem:s13], [sflag:$0x7] =	stream.indirect_vreg.gather [hbm4b:s7+s3], $0x80, v4, vm0, $0xb8;
	[tilespmem:$0x1E200] =	vst v63  }
0x179: {  	s14 =	simm.s32 $0xA200  }
0x17a: {  	[tilespmem:s14], [sflag:$0x7] =	stream.indirect_vreg.gather [hbm4b:s8+s3], $0x80, v4, vm0, $0xb8;
	[tilespmem:$0x1E200] =	vst v63  }
0x17b: {  	s15 =	simm.s32 $0xAA00  }
0x17c: {  	[tilespmem:s15], [sflag:$0x7] =	stream.indirect_vreg.gather [hbm4b:s2+s3], $0x80, v3, vm0, $0xb8;
	[tilespmem:$0x1E200] =	vst v63  }
0x17d: {  	s16 =	simm.s32 $0xB200  }
0x17e: {  	[tilespmem:s16], [sflag:$0x7] =	stream.indirect_vreg.gather [hbm4b:s7+s3], $0x80, v3, vm0, $0xb8;
	[tilespmem:$0x1E200] =	vst v63  }
0x17f: {  	s13 =	simm.s32 $0xBA00  }
0x180: {  	[tilespmem:s13], [sflag:$0x7] =	stream.indirect_vreg.gather [hbm4b:s8+s3], $0x80, v3, vm0, $0xb8;
	[tilespmem:$0x1E200] =	vst v63  }
0x181: {  	_ =	swait.ge [sflag:s22], $0x6000  }
0x182: {  	[sflag:s22] =	ssyncset.done $0x0  }
0x183: {  	s14 =	rddreg [dreg:$0xa];
	[sflag:s22] =	ssyncadd.s32 $0xFFFFA000  }
0x184: {  	[hbm4b:s14+s3] =	stream.linear.scatter [tilespmem:s19], [sflag:$0xD], $0x6000, $0x38;
	[tilespmem:$0x1E200] =	vst v63  }
0x185: {  	_ =	swait.ge [sflag:s23], $0x6000  }
0x186: {  	[sflag:s23] =	ssyncset.done $0x0  }
0x187: {  	[sflag:s23] =	ssyncadd.s32 $0xFFFFA000  }
0x188: {  	[tilespmem:s19], [sflag:$0x3] =	stream.linear.gather [hbm4b:s6+s3], $0x6000, $0x38;
	[tilespmem:$0x1E200] =	vst v63  }
0x189: {  	_ =	swait.ge [sflag:s10], $0x6000  }
0x18a: {  	[sflag:s10] =	ssyncset.done $0x0  }
0x18b: {  	[sflag:s10] =	ssyncadd.s32 $0xFFFFA000  }
0x18c: {  	v3 =	vld [tilespmem:$0x1A0];
	_ =	sdelay $0x4  }
0x18d: {  	v62 =	vshrl.u32 v3, $0x3  }
0x18e: {  	v4 =	vmul.u32 $0x30, v62  }
0x18f: {  	v3 =	vand.u32 $0x7, v3  }
0x190: {  	v3 =	vor.u32 v3, v4  }
0x191: {  	v4 =	vperm.xlane v3, v0;
	_ =	sdelay $0x1  }
0x192: {  	v4 =	vadd.s32 v1, v4;
	_ =	sdelay $0x3  }
0x193: {  	v3 =	vperm.xlane v3, v2  }
0x194: {  	[tilespmem:s19], [sflag:$0x8] =	stream.indirect_vreg.gather [hbm4b:s2+s3], $0x80, v4, vm0, $0xb8;
	[tilespmem:$0x1E200] =	vst v63  }
0x195: {  	s15 =	simm.s32 $0xCA00;
	v3 =	vadd.s32 v1, v3  }
0x196: {  	[tilespmem:s15], [sflag:$0x8] =	stream.indirect_vreg.gather [hbm4b:s7+s3], $0x80, v4, vm0, $0xb8;
	[tilespmem:$0x1E200] =	vst v63  }
0x197: {  	s16 =	simm.s32 $0xD200  }
0x198: {  	[tilespmem:s16], [sflag:$0x8] =	stream.indirect_vreg.gather [hbm4b:s8+s3], $0x80, v4, vm0, $0xb8;
	[tilespmem:$0x1E200] =	vst v63  }
0x199: {  	s13 =	simm.s32 $0xDA00  }
0x19a: {  	[tilespmem:s13], [sflag:$0x8] =	stream.indirect_vreg.gather [hbm4b:s2+s3], $0x80, v3, vm0, $0xb8;
	[tilespmem:$0x1E200] =	vst v63  }
0x19b: {  	s14 =	simm.s32 $0xE200  }
0x19c: {  	[tilespmem:s14], [sflag:$0x8] =	stream.indirect_vreg.gather [hbm4b:s7+s3], $0x80, v3, vm0, $0xb8;
	[tilespmem:$0x1E200] =	vst v63  }
0x19d: {  	s15 =	simm.s32 $0xEA00  }
0x19e: {  	[tilespmem:s15], [sflag:$0x8] =	stream.indirect_vreg.gather [hbm4b:s8+s3], $0x80, v3, vm0, $0xb8;
	[tilespmem:$0x1E200] =	vst v63  }
0x19f: {  	v3 =	vld [tilespmem:$0x1B0];
	_ =	sdelay $0x4  }
0x1a0: {  	v63 =	vshrl.u32 v3, $0x3  }
0x1a1: {  	v4 =	vmul.u32 $0x30, v63  }
0x1a2: {  	v3 =	vand.u32 $0x7, v3  }
0x1a3: {  	v3 =	vor.u32 v3, v4  }
0x1a4: {  	v4 =	vperm.xlane v3, v0;
	_ =	sdelay $0x1  }
0x1a5: {  	v4 =	vadd.s32 v1, v4;
	_ =	sdelay $0x3  }
0x1a6: {  	s16 =	simm.s32 $0xF200;
	v3 =	vperm.xlane v3, v2  }
0x1a7: {  	[tilespmem:s16], [sflag:$0x8] =	stream.indirect_vreg.gather [hbm4b:s2+s3], $0x80, v4, vm0, $0xb8;
	[tilespmem:$0x1E200] =	vst v63  }
0x1a8: {  	s13 =	simm.s32 $0xFA00;
	v3 =	vadd.s32 v1, v3  }
0x1a9: {  	[tilespmem:s13], [sflag:$0x8] =	stream.indirect_vreg.gather [hbm4b:s7+s3], $0x80, v4, vm0, $0xb8;
	[tilespmem:$0x1E200] =	vst v63  }
0x1aa: {  	s14 =	simm.s32 $0x10200  }
0x1ab: {  	[tilespmem:s14], [sflag:$0x8] =	stream.indirect_vreg.gather [hbm4b:s8+s3], $0x80, v4, vm0, $0xb8;
	[tilespmem:$0x1E200] =	vst v63  }
0x1ac: {  	s15 =	simm.s32 $0x10A00  }
0x1ad: {  	[tilespmem:s15], [sflag:$0x8] =	stream.indirect_vreg.gather [hbm4b:s2+s3], $0x80, v3, vm0, $0xb8;
	[tilespmem:$0x1E200] =	vst v63  }
0x1ae: {  	s16 =	simm.s32 $0x11200  }
0x1af: {  	[tilespmem:s16], [sflag:$0x8] =	stream.indirect_vreg.gather [hbm4b:s7+s3], $0x80, v3, vm0, $0xb8;
	[tilespmem:$0x1E200] =	vst v63  }
0x1b0: {  	s13 =	simm.s32 $0x11A00;
	s14 =	simm.s32 $0x9  }
0x1b1: {  	[tilespmem:s13], [sflag:$0x8] =	stream.indirect_vreg.gather [hbm4b:s8+s3], $0x80, v3, vm0, $0xb8;
	[tilespmem:$0x1E200] =	vst v63  }
0x1b2: {  	_ =	swait.ge [sflag:s14], $0x6000  }
0x1b3: {  	s16 =	simm.s32 $0x12200;
	[sflag:s14] =	ssyncset.done $0x0  }
0x1b4: {  	s13 =	simm.s32 $0xA;
	s15 =	rddreg [dreg:$0xb];
	[sflag:s14] =	ssyncadd.s32 $0xFFFFA000  }
0x1b5: {  	[hbm4b:s15+s3] =	stream.linear.scatter [tilespmem:s16], [sflag:$0xE], $0x6000, $0x38;
	[tilespmem:$0x1E200] =	vst v63  }
0x1b6: {  	_ =	swait.ge [sflag:s13], $0x6000  }
0x1b7: {  	[sflag:s13] =	ssyncset.done $0x0  }
0x1b8: {  	s15 =	simm.s32 $0x18200;
	s14 =	rddreg [dreg:$0xc];
	[sflag:s13] =	ssyncadd.s32 $0xFFFFA000  }
0x1b9: {  	[hbm4b:s14+s3] =	stream.linear.scatter [tilespmem:s15], [sflag:$0xF], $0x6000, $0x38;
	[tilespmem:$0x1E200] =	vst v63  }
0x1ba: {  	_ =	swait.ge [sflag:s1], $0x6000  }
0x1bb: {  	[sflag:s1] =	ssyncset.done $0x0  }
0x1bc: {  	s16 =	rddreg [dreg:$0xd];
	[sflag:s1] =	ssyncadd.s32 $0xFFFFA000  }
0x1bd: {  	[hbm4b:s16+s3] =	stream.linear.scatter [tilespmem:s11], [sflag:$0xB], $0x6000, $0x38;
	[tilespmem:$0x1E200] =	vst v63  }
0x1be: {  	_ =	swait.ge [sflag:s20], $0x6000  }
0x1bf: {  	[sflag:s20] =	ssyncset.done $0x0  }
0x1c0: {  	s0 =	rddreg [dreg:$0xe];
	[sflag:s20] =	ssyncadd.s32 $0xFFFFA000  }
0x1c1: {  	[hbm4b:s0+s3] =	stream.linear.scatter [tilespmem:s12], [sflag:$0xC], $0x6000, $0x38;
	[tilespmem:$0x1E200] =	vst v63  }
0x1c2: {  	_ =	swait.ge [sflag:s22], $0x6000  }
0x1c3: {  	[sflag:s22] =	ssyncset.done $0x0  }
0x1c4: {  	s15 =	simm.s32 $0xE;
	s14 =	rddreg [dreg:$0xf];
	[sflag:s22] =	ssyncadd.s32 $0xFFFFA000  }
0x1c5: {  	[hbm4b:s14+s3] =	stream.linear.scatter [tilespmem:s19], [sflag:$0xD], $0x6000, $0x38;
	[tilespmem:$0x1E200] =	vst v63  }
0x1c6: {  	_ =	swait.ge [sflag:s15], $0x6000  }
0x1c7: {  	[sflag:s15] =	ssyncset.done $0x0  }
0x1c8: {  	s16 =	simm.s32 $0xF;
	[sflag:s15] =	ssyncadd.s32 $0xFFFFA000  }
0x1c9: {  	_ =	swait.ge [sflag:s16], $0x6000  }
0x1ca: {  	[sflag:s16] =	ssyncset.done $0x0  }
0x1cb: {  	[sflag:s16] =	ssyncadd.s32 $0xFFFFA000  }
0x1cc: {  	_ =	swait.ge [sflag:s4], $0x6000  }
0x1cd: {  	[sflag:s4] =	ssyncset.done $0x0  }
0x1ce: {  	[sflag:s4] =	ssyncadd.s32 $0xFFFFA000  }
0x1cf: {  	p0 =	sne.s32 s9, $0x1;
	_ =	swait.ge [sflag:s21], $0x6000  }
.Ltmp0:
0x1d0: {  	[sflag:s21] =	ssyncset.done $0x0;
	(pc) =	sbr.rel @p0 .LBB2_1-.Ltmp0, $4  }
0x1d1: {  	[sflag:s21] =	ssyncadd.s32 $0xFFFFA000  }
0x1d2: {  	_ =	swait.ge [sflag:s23], $0x6000  }
0x1d3: {  	[sflag:s23] =	ssyncset.done $0x0  }
0x1d4: {  	s9 =	sadd.s32 $0xFFFFFFFF, s9;
	[sflag:s23] =	ssyncadd.s32 $0xFFFFA000  }
0x1d5: {  	_ =	sfence.sel $0x180000  }
0x1d6: {  	[bflag:$0x0] =	sbarrier.arrive $0xFFFF  }
0x1d7: {  	_ =	strace $0x90000047  }
0x1d8: {  	s0 =	stileid.u32;
	[bflag:$0x2] =	sbarrier.arrive $0xFFFF  }
0x1d9: {  	p0 =	sne.s32 s0, $0x0;
	s0 =	rddreg [dreg:$0x4]  }
0x1da: {  	s0 =	sadd.s32 @!p0 $0x100000, s0  }
0x1db: {  	[sflag:s0] =	ssyncadd.tile.s32 @!p0 $0x1;
	_ =	shalt  }
.Lfunc_end2:
_tile_overlayer_lowered:
.L_overlay_start_2:
0x1dc: {  	(tag) =	ssettag $0x2  }
0x1dd: {  	s0 =	rddreg [dreg:$0x0];
	s2 =	stileid.u32  }
0x1de: {  	s1 =	rddreg [dreg:$0x1];
	p0 =	sne.s32 s2, $0x0  }
0x1df: {  	s3 =	rddreg [dreg:$0x2];
	[bflag:$0x3] =	sbarrier.arrive $0xFFFF;
	s2 =	simm.s32 @!p0 $0x1C14  }
0x1e0: {  	[timem:s3], [sflag:s2] =	dma.local @!p0 [hbm:s0], s1  }
0x1e1: {  	s0 =	simm.s32 @!p0 $0x14  }
0x1e2: {  	_ =	swait.ge @!p0 [sflag:s0], s1  }
0x1e3: {  	s1 =	ssub.s32 @!p0 $0x0, s1;
	[sflag:s0] =	ssyncset.done @!p0 $0x0  }
0x1e4: {  	[sflag:s0] =	ssyncadd.s32 @!p0 s1  }
0x1e5: {  	[bflag:$0x3] =	sbarrier.arrive $0xFFFF  }
0x1e6: {  	_ =	shalt  }

</sc_bundles>
